<compile_context>
chip_gen: v7x
topology: tpu7x:2x2x1
jax: 0.10.2.dev20260603
libtpu: 0.0.44.dev20260713+nightly
codegen_flags: <defaults>
</compile_context>

<pallas_src>
import functools
import math

import jax
import jax.numpy as jnp
from jax import lax
from jax.experimental import pallas as pl
from jax.experimental.pallas import tpu as pltpu
from jax.experimental.pallas import tpu_sc as plsc

D_MODEL = 64
SCALE = math.sqrt(D_MODEL)
NUM_CORES = 2
NUM_SUBCORES = 16
NUM_WORKERS = NUM_CORES * NUM_SUBCORES
CHUNK = 128
LANES = 16


@functools.partial(jax.jit, static_argnames=("n_chunks_w",))
def _emb_call(idx, table, n_chunks_w):
    b_per_w = n_chunks_w * CHUNK
    batch = NUM_WORKERS * b_per_w

    mesh = plsc.VectorSubcoreMesh(core_axis_name="c", subcore_axis_name="s")

    @functools.partial(
        pl.kernel,
        out_type=jax.ShapeDtypeStruct((batch, D_MODEL), jnp.float32),
        mesh=mesh,
        compiler_params=pltpu.CompilerParams(use_tc_tiling_on_sc=False),
        scratch_types=[
            pltpu.VMEM((n_chunks_w, CHUNK), jnp.int32),
            pltpu.VMEM((CHUNK, D_MODEL), jnp.float32),
            pltpu.VMEM((CHUNK, D_MODEL), jnp.float32),
            pltpu.SemaphoreType.DMA,
            pltpu.SemaphoreType.DMA,
            pltpu.SemaphoreType.DMA,
            pltpu.SemaphoreType.DMA,
        ],
    )
    def kern(idx_hbm, table_hbm, out_hbm, idx_v, rows0, rows1,
             gsem0, gsem1, osem0, osem1):
        wid = lax.axis_index("s") * NUM_CORES + lax.axis_index("c")
        base = wid * b_per_w

        pltpu.sync_copy(idx_hbm.at[wid], idx_v)

        rows = (rows0, rows1)
        gsem = (gsem0, gsem1)
        osem = (osem0, osem1)

        def start_gather(j, b):
            pltpu.async_copy(table_hbm.at[idx_v.at[j]], rows[b], gsem[b])

        def wait_gather(j, b):
            pltpu.make_async_copy(
                table_hbm.at[idx_v.at[j]], rows[b], gsem[b]).wait()

        def out_slice(j):
            return out_hbm.at[pl.ds(base + j * CHUNK, CHUNK)]

        def start_out(j, b):
            pltpu.async_copy(rows[b], out_slice(j), osem[b])

        def wait_out(j, b):
            pltpu.make_async_copy(rows[b], out_slice(j), osem[b]).wait()

        def scale(b):
            rv = rows[b]

            @pl.loop(0, CHUNK, unroll=4)
            def _(r):
                for c4 in range(D_MODEL // LANES):
                    sl = pl.ds(c4 * LANES, LANES)
                    rv[r, sl] = rv[r, sl] * SCALE

        start_gather(0, 0)

        @pl.loop(0, n_chunks_w, step=2)
        def _(j0):
            for t in range(2):
                j = j0 + t
                other = 1 - t
                if t == 0:
                    @pl.when(j0 > 0)
                    def _():
                        wait_out(j - 1, other)
                else:
                    wait_out(j - 1, other)

                @pl.when(j + 1 < n_chunks_w)
                def _():
                    start_gather(j + 1, other)

                wait_gather(j, t)
                scale(t)
                start_out(j, t)

        wait_out(n_chunks_w - 1, 1)

    return kern(idx, table)


def kernel(x, table):
    batch = x.shape[0] * x.shape[1]
    n_chunks_w = batch // (NUM_WORKERS * CHUNK)
    idx = x.astype(jnp.int32).reshape(NUM_WORKERS, n_chunks_w, CHUNK)
    out = _emb_call(idx, table, n_chunks_w)
    return out.reshape(x.shape[0], x.shape[1], D_MODEL)

# --- scband reference (transcript-rebuilt; emitter-appended) ---
"""Pipeline reference for scband-word-embedding-25091198943489 (READ-ONLY COPY).

The authoritative reference and input builder live on the scoring server;
editing this copy changes nothing except your own understanding.
"""

import jax, jax.numpy as jnp
import numpy as np
import math

D_MODEL = 64
VOCAB = 1000000

def setup_inputs(seed: int = 0) -> dict:
    key = jax.random.key(seed)
    k1, k2 = jax.random.split(key)
    x = jax.random.randint(k1, (4096, 200), 0, VOCAB, dtype=jnp.int64 if jax.config.jax_enable_x64 else jnp.int32)
    table = jax.random.normal(k2, (VOCAB, D_MODEL), dtype=jnp.float32)
    return {"x": x, "table": table}

def reference(x, table):
    # nn.Embedding lookup followed by scaling by sqrt(d_model)
    emb = jnp.take(table, x, axis=0)
    return emb * math.sqrt(D_MODEL)

if __name__ == "__main__":
    import jax
    _d = setup_inputs()
    print(jax.jit(kernel)(*tuple(_d.values())))

</pallas_src>

<mosaic_0001>
#map = affine_map<(d0, d1) -> (0, 0, 0)>
#map1 = affine_map<(d0, d1) -> (0, 0)>
module attributes {stable_mosaic.version = 14 : i64} {
  func.func @kern(%arg0: i32, %arg1: i32, %arg2: memref<32x200x128xi32, #tpu.memory_space<hbm>>, %arg3: memref<1000000x64xf32, #tpu.memory_space<hbm>>, %arg4: memref<819200x64xf32, #tpu.memory_space<hbm>>, %arg5: memref<200x128xi32, #tpu.memory_space<vmem>>, %arg6: memref<128x64xf32, #tpu.memory_space<vmem>>, %arg7: memref<128x64xf32, #tpu.memory_space<vmem>>, %arg8: memref<!tpu.dma_semaphore, #tpu.memory_space<semaphore_mem>>, %arg9: memref<!tpu.dma_semaphore, #tpu.memory_space<semaphore_mem>>, %arg10: memref<!tpu.dma_semaphore, #tpu.memory_space<semaphore_mem>>, %arg11: memref<!tpu.dma_semaphore, #tpu.memory_space<semaphore_mem>>) attributes {dimension_semantics = [#tpu.dimension_semantics<core_parallel>, #tpu.dimension_semantics<subcore_parallel>], iteration_bounds = array<i64: 2, 16>, scalar_prefetch = 0 : i64, scratch_operands = 7 : i64, tpu.core_type = #tpu.core_type<sc_vector_subcore>, window_params = [{transform_indices = #map}, {transform_indices = #map1}, {transform_indices = #map1}]} {
    %mul3A = arith.constant 2 : i32
    %mul3A_0 = arith.muli %arg1, %mul3A : i32
    %add3A = arith.addi %mul3A_0, %arg0 : i32
    %mul3A_1 = arith.constant 25600 : i32
    %mul3A_2 = arith.muli %add3A, %mul3A_1 : i32
    "tpu.region"() ({
      %run_scoped3A = tpu.sem_alloc : memref<!tpu.dma_semaphore, #tpu.memory_space<semaphore_mem>>
      %dma_start3A_18 = arith.constant 0 : i32
      %dma_start3A_19 = arith.constant 0 : i32
      %dma_start3A_20 = tpu.memref_slice %arg2[%add3A, %dma_start3A_18, %dma_start3A_19] : memref<32x200x128xi32, #tpu.memory_space<hbm>> -> memref<1x200x128xi32, #tpu.memory_space<hbm>>
      %dma_start3A_21 = tpu.memref_squeeze %dma_start3A_20 : memref<1x200x128xi32, #tpu.memory_space<hbm>> -> memref<200x128xi32, #tpu.memory_space<hbm>>
      %dma_start3A_22 = arith.constant 0 : i32
      %dma_start3A_23 = arith.constant 0 : i32
      %dma_start3A_24 = tpu.memref_slice %arg2[%add3A, %dma_start3A_22, %dma_start3A_23] : memref<32x200x128xi32, #tpu.memory_space<hbm>> -> memref<1x200x128xi32, #tpu.memory_space<hbm>>
      %dma_start3A_25 = tpu.memref_squeeze %dma_start3A_24 : memref<1x200x128xi32, #tpu.memory_space<hbm>> -> memref<200x128xi32, #tpu.memory_space<hbm>>
      tpu.enqueue_dma source(%dma_start3A_25 : memref<200x128xi32, #tpu.memory_space<hbm>>) target(%arg5 : memref<200x128xi32, #tpu.memory_space<vmem>>) target_semaphore(%run_scoped3A : memref<!tpu.dma_semaphore, #tpu.memory_space<semaphore_mem>>)
      %dma_wait3A_26 = arith.constant 0 : i32
      %dma_wait3A_27 = arith.constant 0 : i32
      %dma_wait3A_28 = tpu.memref_slice %arg2[%add3A, %dma_wait3A_26, %dma_wait3A_27] : memref<32x200x128xi32, #tpu.memory_space<hbm>> -> memref<1x200x128xi32, #tpu.memory_space<hbm>>
      %dma_wait3A_29 = tpu.memref_squeeze %dma_wait3A_28 : memref<1x200x128xi32, #tpu.memory_space<hbm>> -> memref<200x128xi32, #tpu.memory_space<hbm>>
      %dma_wait3A_30 = arith.constant 0 : i32
      %dma_wait3A_31 = arith.constant 0 : i32
      %dma_wait3A_32 = tpu.memref_slice %arg2[%add3A, %dma_wait3A_30, %dma_wait3A_31] : memref<32x200x128xi32, #tpu.memory_space<hbm>> -> memref<1x200x128xi32, #tpu.memory_space<hbm>>
      %dma_wait3A_33 = tpu.memref_squeeze %dma_wait3A_32 : memref<1x200x128xi32, #tpu.memory_space<hbm>> -> memref<200x128xi32, #tpu.memory_space<hbm>>
      tpu.wait_dma2 semaphore(%run_scoped3A : memref<!tpu.dma_semaphore, #tpu.memory_space<semaphore_mem>>) src(%dma_wait3A_33 : memref<200x128xi32, #tpu.memory_space<hbm>>) dst(%arg5 : memref<200x128xi32, #tpu.memory_space<vmem>>)
      tpu.yield
    }) : () -> ()
    %dma_start3A = arith.constant 0 : i32
    %dma_start3A_3 = arith.constant 0 : i32
    %dma_start3A_4 = tpu.memref_slice %arg5[%dma_start3A, %dma_start3A_3] : memref<200x128xi32, #tpu.memory_space<vmem>> -> memref<1x128xi32, #tpu.memory_space<vmem>>
    %dma_start3A_5 = tpu.memref_squeeze %dma_start3A_4 : memref<1x128xi32, #tpu.memory_space<vmem>> -> memref<128xi32, #tpu.memory_space<vmem>>
    %dma_start3A_6 = arith.constant 0 : i32
    %dma_start3A_7 = arith.constant 0 : i32
    %dma_start3A_8 = tpu.memref_slice %arg3[%dma_start3A_6, %dma_start3A_7] : memref<1000000x64xf32, #tpu.memory_space<hbm>> -> memref<1000000x64xf32, #tpu.memory_space<hbm>>
    tpu.enqueue_indirect_dma source(%dma_start3A_8 : memref<1000000x64xf32, #tpu.memory_space<hbm>>) target(%arg6 : memref<128x64xf32, #tpu.memory_space<vmem>>) offsets(%dma_start3A_5 : memref<128xi32, #tpu.memory_space<vmem>>) semaphore(%arg8 : memref<!tpu.dma_semaphore, #tpu.memory_space<semaphore_mem>>)
    %scan3A = arith.constant 0 : i32
    %scan3A_9 = arith.constant 100 : i32
    %scan3A_10 = arith.addi %scan3A, %scan3A_9 : i32
    %scan3A_11 = arith.constant 1 : i32
    scf.for %scan3A_18 = %scan3A to %scan3A_10 step %scan3A_11  : i32 {
      %mul3A_19 = arith.constant 2 : i32
      %mul3A_20 = arith.muli %scan3A_18, %mul3A_19 : i32
      %add3A_21 = arith.constant 0 : i32
      %add3A_22 = arith.addi %add3A_21, %mul3A_20 : i32
      %add3A_23 = arith.constant 0 : i32
      %add3A_24 = arith.addi %add3A_22, %add3A_23 : i32
      %gt3A = arith.constant 0 : i32
      %gt3A_25 = arith.cmpi sgt, %add3A_22, %gt3A : i32
      %convert_element_type3A = arith.extui %gt3A_25 : i1 to i32
      %cond3A = arith.constant 0 : i32
      %cond3A_26 = arith.cmpi ne, %convert_element_type3A, %cond3A : i32
      scf.if %cond3A_26 {
        %sub3A_86 = arith.constant 1 : i32
        %sub3A_87 = arith.subi %add3A_24, %sub3A_86 : i32
        %mul3A_88 = arith.constant 128 : i32
        %mul3A_89 = arith.muli %sub3A_87, %mul3A_88 : i32
        %add3A_90 = arith.addi %mul3A_2, %mul3A_89 : i32
        %dma_wait3A_91 = arith.constant 0 : i32
        %dma_wait3A_92 = tpu.memref_slice %arg4[%add3A_90, %dma_wait3A_91] : memref<819200x64xf32, #tpu.memory_space<hbm>> -> memref<128x64xf32, #tpu.memory_space<hbm>>
        %dma_wait3A_93 = arith.constant 0 : i32
        %dma_wait3A_94 = tpu.memref_slice %arg4[%add3A_90, %dma_wait3A_93] : memref<819200x64xf32, #tpu.memory_space<hbm>> -> memref<128x64xf32, #tpu.memory_space<hbm>>
        tpu.wait_dma2 semaphore(%arg11 : memref<!tpu.dma_semaphore, #tpu.memory_space<semaphore_mem>>) src(%arg7 : memref<128x64xf32, #tpu.memory_space<vmem>>) dst(%dma_wait3A_94 : memref<128x64xf32, #tpu.memory_space<hbm>>)
      } else {
      }
      %add3A_27 = arith.constant 1 : i32
      %add3A_28 = arith.addi %add3A_24, %add3A_27 : i32
      %lt3A = arith.constant 200 : i32
      %lt3A_29 = arith.cmpi slt, %add3A_28, %lt3A : i32
      %convert_element_type3A_30 = arith.extui %lt3A_29 : i1 to i32
      %cond3A_31 = arith.constant 0 : i32
      %cond3A_32 = arith.cmpi ne, %convert_element_type3A_30, %cond3A_31 : i32
      scf.if %cond3A_32 {
        %add3A_86 = arith.constant 1 : i32
        %add3A_87 = arith.addi %add3A_24, %add3A_86 : i32
        %dma_start3A_88 = arith.constant 0 : i32
        %dma_start3A_89 = tpu.memref_slice %arg5[%add3A_87, %dma_start3A_88] : memref<200x128xi32, #tpu.memory_space<vmem>> -> memref<1x128xi32, #tpu.memory_space<vmem>>
        %dma_start3A_90 = tpu.memref_squeeze %dma_start3A_89 : memref<1x128xi32, #tpu.memory_space<vmem>> -> memref<128xi32, #tpu.memory_space<vmem>>
        %dma_start3A_91 = arith.constant 0 : i32
        %dma_start3A_92 = arith.constant 0 : i32
        %dma_start3A_93 = tpu.memref_slice %arg3[%dma_start3A_91, %dma_start3A_92] : memref<1000000x64xf32, #tpu.memory_space<hbm>> -> memref<1000000x64xf32, #tpu.memory_space<hbm>>
        tpu.enqueue_indirect_dma source(%dma_start3A_93 : memref<1000000x64xf32, #tpu.memory_space<hbm>>) target(%arg7 : memref<128x64xf32, #tpu.memory_space<vmem>>) offsets(%dma_start3A_90 : memref<128xi32, #tpu.memory_space<vmem>>) semaphore(%arg9 : memref<!tpu.dma_semaphore, #tpu.memory_space<semaphore_mem>>)
      } else {
      }
      %dma_wait3A_33 = arith.constant 0 : i32
      %dma_wait3A_34 = tpu.memref_slice %arg5[%add3A_24, %dma_wait3A_33] : memref<200x128xi32, #tpu.memory_space<vmem>> -> memref<1x128xi32, #tpu.memory_space<vmem>>
      %dma_wait3A_35 = tpu.memref_squeeze %dma_wait3A_34 : memref<1x128xi32, #tpu.memory_space<vmem>> -> memref<128xi32, #tpu.memory_space<vmem>>
      %dma_wait3A_36 = arith.constant 0 : i32
      %dma_wait3A_37 = arith.constant 0 : i32
      %dma_wait3A_38 = tpu.memref_slice %arg3[%dma_wait3A_36, %dma_wait3A_37] : memref<1000000x64xf32, #tpu.memory_space<hbm>> -> memref<1000000x64xf32, #tpu.memory_space<hbm>>
      tpu.wait_indirect_dma semaphore(%arg8 : memref<!tpu.dma_semaphore, #tpu.memory_space<semaphore_mem>>) src(%dma_wait3A_38 : memref<1000000x64xf32, #tpu.memory_space<hbm>>) dst(%arg6 : memref<128x64xf32, #tpu.memory_space<vmem>>)
      %scan3A_39 = arith.constant 0 : i32
      %scan3A_40 = arith.constant 128 : i32
      %scan3A_41 = arith.addi %scan3A_39, %scan3A_40 : i32
      %scan3A_42 = arith.constant 4 : i32
      scf.for %scan3A_86 = %scan3A_39 to %scan3A_41 step %scan3A_42  : i32 {
        %mul3A_87 = arith.constant 1 : i32
        %mul3A_88 = arith.muli %scan3A_86, %mul3A_87 : i32
        %add3A_89 = arith.constant 0 : i32
        %add3A_90 = arith.addi %add3A_89, %mul3A_88 : i32
        %get3A = arith.index_cast %add3A_90 : i32 to index
        %get3A_91 = arith.constant 0 : index
        %get3A_92 = tpu.vector_load %arg6[%get3A, %get3A_91] {strides = array<i32>} : memref<128x64xf32, #tpu.memory_space<vmem>>, vector<1x16xf32>,
        %get3A_93 = vector.shape_cast %get3A_92 : vector<1x16xf32> to vector<16xf32>
        %mul3A_94 = arith.constant 8.000000e+00 : f32
        %mul3A_95 = vector.broadcast %mul3A_94 : f32 to vector<16xf32>
        %mul3A_96 = arith.mulf %get3A_93, %mul3A_95 : vector<16xf32>
        %swap3A = arith.index_cast %add3A_90 : i32 to index
        %swap3A_97 = arith.constant 0 : index
        %swap3A_98 = tpu.vector_load %arg6[%swap3A, %swap3A_97] {strides = array<i32>} : memref<128x64xf32, #tpu.memory_space<vmem>>, vector<1x16xf32>,
        %swap3A_99 = vector.shape_cast %swap3A_98 : vector<1x16xf32> to vector<16xf32>
        %swap3A_100 = vector.shape_cast %mul3A_96 : vector<16xf32> to vector<1x16xf32>
        tpu.vector_store %arg6[%swap3A, %swap3A_97], %swap3A_100 {strides = array<i32>} : memref<128x64xf32, #tpu.memory_space<vmem>>, vector<1x16xf32>,
        %get3A_101 = arith.index_cast %add3A_90 : i32 to index
        %get3A_102 = arith.constant 16 : index
        %get3A_103 = tpu.vector_load %arg6[%get3A_101, %get3A_102] {strides = array<i32>} : memref<128x64xf32, #tpu.memory_space<vmem>>, vector<1x16xf32>,
        %get3A_104 = vector.shape_cast %get3A_103 : vector<1x16xf32> to vector<16xf32>
        %mul3A_105 = arith.constant 8.000000e+00 : f32
        %mul3A_106 = vector.broadcast %mul3A_105 : f32 to vector<16xf32>
        %mul3A_107 = arith.mulf %get3A_104, %mul3A_106 : vector<16xf32>
        %swap3A_108 = arith.index_cast %add3A_90 : i32 to index
        %swap3A_109 = arith.constant 16 : index
        %swap3A_110 = tpu.vector_load %arg6[%swap3A_108, %swap3A_109] {strides = array<i32>} : memref<128x64xf32, #tpu.memory_space<vmem>>, vector<1x16xf32>,
        %swap3A_111 = vector.shape_cast %swap3A_110 : vector<1x16xf32> to vector<16xf32>
        %swap3A_112 = vector.shape_cast %mul3A_107 : vector<16xf32> to vector<1x16xf32>
        tpu.vector_store %arg6[%swap3A_108, %swap3A_109], %swap3A_112 {strides = array<i32>} : memref<128x64xf32, #tpu.memory_space<vmem>>, vector<1x16xf32>,
        %get3A_113 = arith.index_cast %add3A_90 : i32 to index
        %get3A_114 = arith.constant 32 : index
        %get3A_115 = tpu.vector_load %arg6[%get3A_113, %get3A_114] {strides = array<i32>} : memref<128x64xf32, #tpu.memory_space<vmem>>, vector<1x16xf32>,
        %get3A_116 = vector.shape_cast %get3A_115 : vector<1x16xf32> to vector<16xf32>
        %mul3A_117 = arith.constant 8.000000e+00 : f32
        %mul3A_118 = vector.broadcast %mul3A_117 : f32 to vector<16xf32>
        %mul3A_119 = arith.mulf %get3A_116, %mul3A_118 : vector<16xf32>
        %swap3A_120 = arith.index_cast %add3A_90 : i32 to index
        %swap3A_121 = arith.constant 32 : index
        %swap3A_122 = tpu.vector_load %arg6[%swap3A_120, %swap3A_121] {strides = array<i32>} : memref<128x64xf32, #tpu.memory_space<vmem>>, vector<1x16xf32>,
        %swap3A_123 = vector.shape_cast %swap3A_122 : vector<1x16xf32> to vector<16xf32>
        %swap3A_124 = vector.shape_cast %mul3A_119 : vector<16xf32> to vector<1x16xf32>
        tpu.vector_store %arg6[%swap3A_120, %swap3A_121], %swap3A_124 {strides = array<i32>} : memref<128x64xf32, #tpu.memory_space<vmem>>, vector<1x16xf32>,
        %get3A_125 = arith.index_cast %add3A_90 : i32 to index
        %get3A_126 = arith.constant 48 : index
        %get3A_127 = tpu.vector_load %arg6[%get3A_125, %get3A_126] {strides = array<i32>} : memref<128x64xf32, #tpu.memory_space<vmem>>, vector<1x16xf32>,
        %get3A_128 = vector.shape_cast %get3A_127 : vector<1x16xf32> to vector<16xf32>
        %mul3A_129 = arith.constant 8.000000e+00 : f32
        %mul3A_130 = vector.broadcast %mul3A_129 : f32 to vector<16xf32>
        %mul3A_131 = arith.mulf %get3A_128, %mul3A_130 : vector<16xf32>
        %swap3A_132 = arith.index_cast %add3A_90 : i32 to index
        %swap3A_133 = arith.constant 48 : index
        %swap3A_134 = tpu.vector_load %arg6[%swap3A_132, %swap3A_133] {strides = array<i32>} : memref<128x64xf32, #tpu.memory_space<vmem>>, vector<1x16xf32>,
        %swap3A_135 = vector.shape_cast %swap3A_134 : vector<1x16xf32> to vector<16xf32>
        %swap3A_136 = vector.shape_cast %mul3A_131 : vector<16xf32> to vector<1x16xf32>
        tpu.vector_store %arg6[%swap3A_132, %swap3A_133], %swap3A_136 {strides = array<i32>} : memref<128x64xf32, #tpu.memory_space<vmem>>, vector<1x16xf32>,
        %scan3A_137 = arith.constant 1 : i32
        %scan3A_138 = arith.addi %scan3A_86, %scan3A_137 : i32
        %mul3A_139 = arith.constant 1 : i32
        %mul3A_140 = arith.muli %scan3A_138, %mul3A_139 : i32
        %add3A_141 = arith.constant 0 : i32
        %add3A_142 = arith.addi %add3A_141, %mul3A_140 : i32
        %get3A_143 = arith.index_cast %add3A_142 : i32 to index
        %get3A_144 = arith.constant 0 : index
        %get3A_145 = tpu.vector_load %arg6[%get3A_143, %get3A_144] {strides = array<i32>} : memref<128x64xf32, #tpu.memory_space<vmem>>, vector<1x16xf32>,
        %get3A_146 = vector.shape_cast %get3A_145 : vector<1x16xf32> to vector<16xf32>
        %mul3A_147 = arith.constant 8.000000e+00 : f32
        %mul3A_148 = vector.broadcast %mul3A_147 : f32 to vector<16xf32>
        %mul3A_149 = arith.mulf %get3A_146, %mul3A_148 : vector<16xf32>
        %swap3A_150 = arith.index_cast %add3A_142 : i32 to index
        %swap3A_151 = arith.constant 0 : index
        %swap3A_152 = tpu.vector_load %arg6[%swap3A_150, %swap3A_151] {strides = array<i32>} : memref<128x64xf32, #tpu.memory_space<vmem>>, vector<1x16xf32>,
        %swap3A_153 = vector.shape_cast %swap3A_152 : vector<1x16xf32> to vector<16xf32>
        %swap3A_154 = vector.shape_cast %mul3A_149 : vector<16xf32> to vector<1x16xf32>
        tpu.vector_store %arg6[%swap3A_150, %swap3A_151], %swap3A_154 {strides = array<i32>} : memref<128x64xf32, #tpu.memory_space<vmem>>, vector<1x16xf32>,
        %get3A_155 = arith.index_cast %add3A_142 : i32 to index
        %get3A_156 = arith.constant 16 : index
        %get3A_157 = tpu.vector_load %arg6[%get3A_155, %get3A_156] {strides = array<i32>} : memref<128x64xf32, #tpu.memory_space<vmem>>, vector<1x16xf32>,
        %get3A_158 = vector.shape_cast %get3A_157 : vector<1x16xf32> to vector<16xf32>
        %mul3A_159 = arith.constant 8.000000e+00 : f32
        %mul3A_160 = vector.broadcast %mul3A_159 : f32 to vector<16xf32>
        %mul3A_161 = arith.mulf %get3A_158, %mul3A_160 : vector<16xf32>
        %swap3A_162 = arith.index_cast %add3A_142 : i32 to index
        %swap3A_163 = arith.constant 16 : index
        %swap3A_164 = tpu.vector_load %arg6[%swap3A_162, %swap3A_163] {strides = array<i32>} : memref<128x64xf32, #tpu.memory_space<vmem>>, vector<1x16xf32>,
        %swap3A_165 = vector.shape_cast %swap3A_164 : vector<1x16xf32> to vector<16xf32>
        %swap3A_166 = vector.shape_cast %mul3A_161 : vector<16xf32> to vector<1x16xf32>
        tpu.vector_store %arg6[%swap3A_162, %swap3A_163], %swap3A_166 {strides = array<i32>} : memref<128x64xf32, #tpu.memory_space<vmem>>, vector<1x16xf32>,
        %get3A_167 = arith.index_cast %add3A_142 : i32 to index
        %get3A_168 = arith.constant 32 : index
        %get3A_169 = tpu.vector_load %arg6[%get3A_167, %get3A_168] {strides = array<i32>} : memref<128x64xf32, #tpu.memory_space<vmem>>, vector<1x16xf32>,
        %get3A_170 = vector.shape_cast %get3A_169 : vector<1x16xf32> to vector<16xf32>
        %mul3A_171 = arith.constant 8.000000e+00 : f32
        %mul3A_172 = vector.broadcast %mul3A_171 : f32 to vector<16xf32>
        %mul3A_173 = arith.mulf %get3A_170, %mul3A_172 : vector<16xf32>
        %swap3A_174 = arith.index_cast %add3A_142 : i32 to index
        %swap3A_175 = arith.constant 32 : index
        %swap3A_176 = tpu.vector_load %arg6[%swap3A_174, %swap3A_175] {strides = array<i32>} : memref<128x64xf32, #tpu.memory_space<vmem>>, vector<1x16xf32>,
        %swap3A_177 = vector.shape_cast %swap3A_176 : vector<1x16xf32> to vector<16xf32>
        %swap3A_178 = vector.shape_cast %mul3A_173 : vector<16xf32> to vector<1x16xf32>
        tpu.vector_store %arg6[%swap3A_174, %swap3A_175], %swap3A_178 {strides = array<i32>} : memref<128x64xf32, #tpu.memory_space<vmem>>, vector<1x16xf32>,
        %get3A_179 = arith.index_cast %add3A_142 : i32 to index
        %get3A_180 = arith.constant 48 : index
        %get3A_181 = tpu.vector_load %arg6[%get3A_179, %get3A_180] {strides = array<i32>} : memref<128x64xf32, #tpu.memory_space<vmem>>, vector<1x16xf32>,
        %get3A_182 = vector.shape_cast %get3A_181 : vector<1x16xf32> to vector<16xf32>
        %mul3A_183 = arith.constant 8.000000e+00 : f32
        %mul3A_184 = vector.broadcast %mul3A_183 : f32 to vector<16xf32>
        %mul3A_185 = arith.mulf %get3A_182, %mul3A_184 : vector<16xf32>
        %swap3A_186 = arith.index_cast %add3A_142 : i32 to index
        %swap3A_187 = arith.constant 48 : index
        %swap3A_188 = tpu.vector_load %arg6[%swap3A_186, %swap3A_187] {strides = array<i32>} : memref<128x64xf32, #tpu.memory_space<vmem>>, vector<1x16xf32>,
        %swap3A_189 = vector.shape_cast %swap3A_188 : vector<1x16xf32> to vector<16xf32>
        %swap3A_190 = vector.shape_cast %mul3A_185 : vector<16xf32> to vector<1x16xf32>
        tpu.vector_store %arg6[%swap3A_186, %swap3A_187], %swap3A_190 {strides = array<i32>} : memref<128x64xf32, #tpu.memory_space<vmem>>, vector<1x16xf32>,
        %scan3A_191 = arith.constant 2 : i32
        %scan3A_192 = arith.addi %scan3A_86, %scan3A_191 : i32
        %mul3A_193 = arith.constant 1 : i32
        %mul3A_194 = arith.muli %scan3A_192, %mul3A_193 : i32
        %add3A_195 = arith.constant 0 : i32
        %add3A_196 = arith.addi %add3A_195, %mul3A_194 : i32
        %get3A_197 = arith.index_cast %add3A_196 : i32 to index
        %get3A_198 = arith.constant 0 : index
        %get3A_199 = tpu.vector_load %arg6[%get3A_197, %get3A_198] {strides = array<i32>} : memref<128x64xf32, #tpu.memory_space<vmem>>, vector<1x16xf32>,
        %get3A_200 = vector.shape_cast %get3A_199 : vector<1x16xf32> to vector<16xf32>
        %mul3A_201 = arith.constant 8.000000e+00 : f32
        %mul3A_202 = vector.broadcast %mul3A_201 : f32 to vector<16xf32>
        %mul3A_203 = arith.mulf %get3A_200, %mul3A_202 : vector<16xf32>
        %swap3A_204 = arith.index_cast %add3A_196 : i32 to index
        %swap3A_205 = arith.constant 0 : index
        %swap3A_206 = tpu.vector_load %arg6[%swap3A_204, %swap3A_205] {strides = array<i32>} : memref<128x64xf32, #tpu.memory_space<vmem>>, vector<1x16xf32>,
        %swap3A_207 = vector.shape_cast %swap3A_206 : vector<1x16xf32> to vector<16xf32>
        %swap3A_208 = vector.shape_cast %mul3A_203 : vector<16xf32> to vector<1x16xf32>
        tpu.vector_store %arg6[%swap3A_204, %swap3A_205], %swap3A_208 {strides = array<i32>} : memref<128x64xf32, #tpu.memory_space<vmem>>, vector<1x16xf32>,
        %get3A_209 = arith.index_cast %add3A_196 : i32 to index
        %get3A_210 = arith.constant 16 : index
        %get3A_211 = tpu.vector_load %arg6[%get3A_209, %get3A_210] {strides = array<i32>} : memref<128x64xf32, #tpu.memory_space<vmem>>, vector<1x16xf32>,
        %get3A_212 = vector.shape_cast %get3A_211 : vector<1x16xf32> to vector<16xf32>
        %mul3A_213 = arith.constant 8.000000e+00 : f32
        %mul3A_214 = vector.broadcast %mul3A_213 : f32 to vector<16xf32>
        %mul3A_215 = arith.mulf %get3A_212, %mul3A_214 : vector<16xf32>
        %swap3A_216 = arith.index_cast %add3A_196 : i32 to index
        %swap3A_217 = arith.constant 16 : index
        %swap3A_218 = tpu.vector_load %arg6[%swap3A_216, %swap3A_217] {strides = array<i32>} : memref<128x64xf32, #tpu.memory_space<vmem>>, vector<1x16xf32>,
        %swap3A_219 = vector.shape_cast %swap3A_218 : vector<1x16xf32> to vector<16xf32>
        %swap3A_220 = vector.shape_cast %mul3A_215 : vector<16xf32> to vector<1x16xf32>
        tpu.vector_store %arg6[%swap3A_216, %swap3A_217], %swap3A_220 {strides = array<i32>} : memref<128x64xf32, #tpu.memory_space<vmem>>, vector<1x16xf32>,
        %get3A_221 = arith.index_cast %add3A_196 : i32 to index
        %get3A_222 = arith.constant 32 : index
        %get3A_223 = tpu.vector_load %arg6[%get3A_221, %get3A_222] {strides = array<i32>} : memref<128x64xf32, #tpu.memory_space<vmem>>, vector<1x16xf32>,
        %get3A_224 = vector.shape_cast %get3A_223 : vector<1x16xf32> to vector<16xf32>
        %mul3A_225 = arith.constant 8.000000e+00 : f32
        %mul3A_226 = vector.broadcast %mul3A_225 : f32 to vector<16xf32>
        %mul3A_227 = arith.mulf %get3A_224, %mul3A_226 : vector<16xf32>
        %swap3A_228 = arith.index_cast %add3A_196 : i32 to index
        %swap3A_229 = arith.constant 32 : index
        %swap3A_230 = tpu.vector_load %arg6[%swap3A_228, %swap3A_229] {strides = array<i32>} : memref<128x64xf32, #tpu.memory_space<vmem>>, vector<1x16xf32>,
        %swap3A_231 = vector.shape_cast %swap3A_230 : vector<1x16xf32> to vector<16xf32>
        %swap3A_232 = vector.shape_cast %mul3A_227 : vector<16xf32> to vector<1x16xf32>
        tpu.vector_store %arg6[%swap3A_228, %swap3A_229], %swap3A_232 {strides = array<i32>} : memref<128x64xf32, #tpu.memory_space<vmem>>, vector<1x16xf32>,
        %get3A_233 = arith.index_cast %add3A_196 : i32 to index
        %get3A_234 = arith.constant 48 : index
        %get3A_235 = tpu.vector_load %arg6[%get3A_233, %get3A_234] {strides = array<i32>} : memref<128x64xf32, #tpu.memory_space<vmem>>, vector<1x16xf32>,
        %get3A_236 = vector.shape_cast %get3A_235 : vector<1x16xf32> to vector<16xf32>
        %mul3A_237 = arith.constant 8.000000e+00 : f32
        %mul3A_238 = vector.broadcast %mul3A_237 : f32 to vector<16xf32>
        %mul3A_239 = arith.mulf %get3A_236, %mul3A_238 : vector<16xf32>
        %swap3A_240 = arith.index_cast %add3A_196 : i32 to index
        %swap3A_241 = arith.constant 48 : index
        %swap3A_242 = tpu.vector_load %arg6[%swap3A_240, %swap3A_241] {strides = array<i32>} : memref<128x64xf32, #tpu.memory_space<vmem>>, vector<1x16xf32>,
        %swap3A_243 = vector.shape_cast %swap3A_242 : vector<1x16xf32> to vector<16xf32>
        %swap3A_244 = vector.shape_cast %mul3A_239 : vector<16xf32> to vector<1x16xf32>
        tpu.vector_store %arg6[%swap3A_240, %swap3A_241], %swap3A_244 {strides = array<i32>} : memref<128x64xf32, #tpu.memory_space<vmem>>, vector<1x16xf32>,
        %scan3A_245 = arith.constant 3 : i32
        %scan3A_246 = arith.addi %scan3A_86, %scan3A_245 : i32
        %mul3A_247 = arith.constant 1 : i32
        %mul3A_248 = arith.muli %scan3A_246, %mul3A_247 : i32
        %add3A_249 = arith.constant 0 : i32
        %add3A_250 = arith.addi %add3A_249, %mul3A_248 : i32
        %get3A_251 = arith.index_cast %add3A_250 : i32 to index
        %get3A_252 = arith.constant 0 : index
        %get3A_253 = tpu.vector_load %arg6[%get3A_251, %get3A_252] {strides = array<i32>} : memref<128x64xf32, #tpu.memory_space<vmem>>, vector<1x16xf32>,
        %get3A_254 = vector.shape_cast %get3A_253 : vector<1x16xf32> to vector<16xf32>
        %mul3A_255 = arith.constant 8.000000e+00 : f32
        %mul3A_256 = vector.broadcast %mul3A_255 : f32 to vector<16xf32>
        %mul3A_257 = arith.mulf %get3A_254, %mul3A_256 : vector<16xf32>
        %swap3A_258 = arith.index_cast %add3A_250 : i32 to index
        %swap3A_259 = arith.constant 0 : index
        %swap3A_260 = tpu.vector_load %arg6[%swap3A_258, %swap3A_259] {strides = array<i32>} : memref<128x64xf32, #tpu.memory_space<vmem>>, vector<1x16xf32>,
        %swap3A_261 = vector.shape_cast %swap3A_260 : vector<1x16xf32> to vector<16xf32>
        %swap3A_262 = vector.shape_cast %mul3A_257 : vector<16xf32> to vector<1x16xf32>
        tpu.vector_store %arg6[%swap3A_258, %swap3A_259], %swap3A_262 {strides = array<i32>} : memref<128x64xf32, #tpu.memory_space<vmem>>, vector<1x16xf32>,
        %get3A_263 = arith.index_cast %add3A_250 : i32 to index
        %get3A_264 = arith.constant 16 : index
        %get3A_265 = tpu.vector_load %arg6[%get3A_263, %get3A_264] {strides = array<i32>} : memref<128x64xf32, #tpu.memory_space<vmem>>, vector<1x16xf32>,
        %get3A_266 = vector.shape_cast %get3A_265 : vector<1x16xf32> to vector<16xf32>
        %mul3A_267 = arith.constant 8.000000e+00 : f32
        %mul3A_268 = vector.broadcast %mul3A_267 : f32 to vector<16xf32>
        %mul3A_269 = arith.mulf %get3A_266, %mul3A_268 : vector<16xf32>
        %swap3A_270 = arith.index_cast %add3A_250 : i32 to index
        %swap3A_271 = arith.constant 16 : index
        %swap3A_272 = tpu.vector_load %arg6[%swap3A_270, %swap3A_271] {strides = array<i32>} : memref<128x64xf32, #tpu.memory_space<vmem>>, vector<1x16xf32>,
        %swap3A_273 = vector.shape_cast %swap3A_272 : vector<1x16xf32> to vector<16xf32>
        %swap3A_274 = vector.shape_cast %mul3A_269 : vector<16xf32> to vector<1x16xf32>
        tpu.vector_store %arg6[%swap3A_270, %swap3A_271], %swap3A_274 {strides = array<i32>} : memref<128x64xf32, #tpu.memory_space<vmem>>, vector<1x16xf32>,
        %get3A_275 = arith.index_cast %add3A_250 : i32 to index
        %get3A_276 = arith.constant 32 : index
        %get3A_277 = tpu.vector_load %arg6[%get3A_275, %get3A_276] {strides = array<i32>} : memref<128x64xf32, #tpu.memory_space<vmem>>, vector<1x16xf32>,
        %get3A_278 = vector.shape_cast %get3A_277 : vector<1x16xf32> to vector<16xf32>
        %mul3A_279 = arith.constant 8.000000e+00 : f32
        %mul3A_280 = vector.broadcast %mul3A_279 : f32 to vector<16xf32>
        %mul3A_281 = arith.mulf %get3A_278, %mul3A_280 : vector<16xf32>
        %swap3A_282 = arith.index_cast %add3A_250 : i32 to index
        %swap3A_283 = arith.constant 32 : index
        %swap3A_284 = tpu.vector_load %arg6[%swap3A_282, %swap3A_283] {strides = array<i32>} : memref<128x64xf32, #tpu.memory_space<vmem>>, vector<1x16xf32>,
        %swap3A_285 = vector.shape_cast %swap3A_284 : vector<1x16xf32> to vector<16xf32>
        %swap3A_286 = vector.shape_cast %mul3A_281 : vector<16xf32> to vector<1x16xf32>
        tpu.vector_store %arg6[%swap3A_282, %swap3A_283], %swap3A_286 {strides = array<i32>} : memref<128x64xf32, #tpu.memory_space<vmem>>, vector<1x16xf32>,
        %get3A_287 = arith.index_cast %add3A_250 : i32 to index
        %get3A_288 = arith.constant 48 : index
        %get3A_289 = tpu.vector_load %arg6[%get3A_287, %get3A_288] {strides = array<i32>} : memref<128x64xf32, #tpu.memory_space<vmem>>, vector<1x16xf32>,
        %get3A_290 = vector.shape_cast %get3A_289 : vector<1x16xf32> to vector<16xf32>
        %mul3A_291 = arith.constant 8.000000e+00 : f32
        %mul3A_292 = vector.broadcast %mul3A_291 : f32 to vector<16xf32>
        %mul3A_293 = arith.mulf %get3A_290, %mul3A_292 : vector<16xf32>
        %swap3A_294 = arith.index_cast %add3A_250 : i32 to index
        %swap3A_295 = arith.constant 48 : index
        %swap3A_296 = tpu.vector_load %arg6[%swap3A_294, %swap3A_295] {strides = array<i32>} : memref<128x64xf32, #tpu.memory_space<vmem>>, vector<1x16xf32>,
        %swap3A_297 = vector.shape_cast %swap3A_296 : vector<1x16xf32> to vector<16xf32>
        %swap3A_298 = vector.shape_cast %mul3A_293 : vector<16xf32> to vector<1x16xf32>
        tpu.vector_store %arg6[%swap3A_294, %swap3A_295], %swap3A_298 {strides = array<i32>} : memref<128x64xf32, #tpu.memory_space<vmem>>, vector<1x16xf32>,
      }
      %scan3A_43 = arith.constant 128 : i32
      %mul3A_44 = arith.constant 128 : i32
      %mul3A_45 = arith.muli %add3A_24, %mul3A_44 : i32
      %add3A_46 = arith.addi %mul3A_2, %mul3A_45 : i32
      %dma_start3A_47 = arith.constant 0 : i32
      %dma_start3A_48 = tpu.memref_slice %arg4[%add3A_46, %dma_start3A_47] : memref<819200x64xf32, #tpu.memory_space<hbm>> -> memref<128x64xf32, #tpu.memory_space<hbm>>
      %dma_start3A_49 = arith.constant 0 : i32
      %dma_start3A_50 = tpu.memref_slice %arg4[%add3A_46, %dma_start3A_49] : memref<819200x64xf32, #tpu.memory_space<hbm>> -> memref<128x64xf32, #tpu.memory_space<hbm>>
      tpu.enqueue_dma source(%arg6 : memref<128x64xf32, #tpu.memory_space<vmem>>) target(%dma_start3A_50 : memref<128x64xf32, #tpu.memory_space<hbm>>) target_semaphore(%arg10 : memref<!tpu.dma_semaphore, #tpu.memory_space<semaphore_mem>>)
      %add3A_51 = arith.constant 1 : i32
      %add3A_52 = arith.addi %add3A_22, %add3A_51 : i32
      %sub3A = arith.constant 1 : i32
      %sub3A_53 = arith.subi %add3A_52, %sub3A : i32
      %mul3A_54 = arith.constant 128 : i32
      %mul3A_55 = arith.muli %sub3A_53, %mul3A_54 : i32
      %add3A_56 = arith.addi %mul3A_2, %mul3A_55 : i32
      %dma_wait3A_57 = arith.constant 0 : i32
      %dma_wait3A_58 = tpu.memref_slice %arg4[%add3A_56, %dma_wait3A_57] : memref<819200x64xf32, #tpu.memory_space<hbm>> -> memref<128x64xf32, #tpu.memory_space<hbm>>
      %dma_wait3A_59 = arith.constant 0 : i32
      %dma_wait3A_60 = tpu.memref_slice %arg4[%add3A_56, %dma_wait3A_59] : memref<819200x64xf32, #tpu.memory_space<hbm>> -> memref<128x64xf32, #tpu.memory_space<hbm>>
      tpu.wait_dma2 semaphore(%arg10 : memref<!tpu.dma_semaphore, #tpu.memory_space<semaphore_mem>>) src(%arg6 : memref<128x64xf32, #tpu.memory_space<vmem>>) dst(%dma_wait3A_60 : memref<128x64xf32, #tpu.memory_space<hbm>>)
      %add3A_61 = arith.constant 1 : i32
      %add3A_62 = arith.addi %add3A_52, %add3A_61 : i32
      %lt3A_63 = arith.constant 200 : i32
      %lt3A_64 = arith.cmpi slt, %add3A_62, %lt3A_63 : i32
      %convert_element_type3A_65 = arith.extui %lt3A_64 : i1 to i32
      %cond3A_66 = arith.constant 0 : i32
      %cond3A_67 = arith.cmpi ne, %convert_element_type3A_65, %cond3A_66 : i32
      scf.if %cond3A_67 {
        %add3A_86 = arith.constant 1 : i32
        %add3A_87 = arith.addi %add3A_52, %add3A_86 : i32
        %dma_start3A_88 = arith.constant 0 : i32
        %dma_start3A_89 = tpu.memref_slice %arg5[%add3A_87, %dma_start3A_88] : memref<200x128xi32, #tpu.memory_space<vmem>> -> memref<1x128xi32, #tpu.memory_space<vmem>>
        %dma_start3A_90 = tpu.memref_squeeze %dma_start3A_89 : memref<1x128xi32, #tpu.memory_space<vmem>> -> memref<128xi32, #tpu.memory_space<vmem>>
        %dma_start3A_91 = arith.constant 0 : i32
        %dma_start3A_92 = arith.constant 0 : i32
        %dma_start3A_93 = tpu.memref_slice %arg3[%dma_start3A_91, %dma_start3A_92] : memref<1000000x64xf32, #tpu.memory_space<hbm>> -> memref<1000000x64xf32, #tpu.memory_space<hbm>>
        tpu.enqueue_indirect_dma source(%dma_start3A_93 : memref<1000000x64xf32, #tpu.memory_space<hbm>>) target(%arg6 : memref<128x64xf32, #tpu.memory_space<vmem>>) offsets(%dma_start3A_90 : memref<128xi32, #tpu.memory_space<vmem>>) semaphore(%arg8 : memref<!tpu.dma_semaphore, #tpu.memory_space<semaphore_mem>>)
      } else {
      }
      %dma_wait3A_68 = arith.constant 0 : i32
      %dma_wait3A_69 = tpu.memref_slice %arg5[%add3A_52, %dma_wait3A_68] : memref<200x128xi32, #tpu.memory_space<vmem>> -> memref<1x128xi32, #tpu.memory_space<vmem>>
      %dma_wait3A_70 = tpu.memref_squeeze %dma_wait3A_69 : memref<1x128xi32, #tpu.memory_space<vmem>> -> memref<128xi32, #tpu.memory_space<vmem>>
      %dma_wait3A_71 = arith.constant 0 : i32
      %dma_wait3A_72 = arith.constant 0 : i32
      %dma_wait3A_73 = tpu.memref_slice %arg3[%dma_wait3A_71, %dma_wait3A_72] : memref<1000000x64xf32, #tpu.memory_space<hbm>> -> memref<1000000x64xf32, #tpu.memory_space<hbm>>
      tpu.wait_indirect_dma semaphore(%arg9 : memref<!tpu.dma_semaphore, #tpu.memory_space<semaphore_mem>>) src(%dma_wait3A_73 : memref<1000000x64xf32, #tpu.memory_space<hbm>>) dst(%arg7 : memref<128x64xf32, #tpu.memory_space<vmem>>)
      %scan3A_74 = arith.constant 0 : i32
      %scan3A_75 = arith.constant 128 : i32
      %scan3A_76 = arith.addi %scan3A_74, %scan3A_75 : i32
      %scan3A_77 = arith.constant 4 : i32
      scf.for %scan3A_86 = %scan3A_74 to %scan3A_76 step %scan3A_77  : i32 {
        %mul3A_87 = arith.constant 1 : i32
        %mul3A_88 = arith.muli %scan3A_86, %mul3A_87 : i32
        %add3A_89 = arith.constant 0 : i32
        %add3A_90 = arith.addi %add3A_89, %mul3A_88 : i32
        %get3A = arith.index_cast %add3A_90 : i32 to index
        %get3A_91 = arith.constant 0 : index
        %get3A_92 = tpu.vector_load %arg7[%get3A, %get3A_91] {strides = array<i32>} : memref<128x64xf32, #tpu.memory_space<vmem>>, vector<1x16xf32>,
        %get3A_93 = vector.shape_cast %get3A_92 : vector<1x16xf32> to vector<16xf32>
        %mul3A_94 = arith.constant 8.000000e+00 : f32
        %mul3A_95 = vector.broadcast %mul3A_94 : f32 to vector<16xf32>
        %mul3A_96 = arith.mulf %get3A_93, %mul3A_95 : vector<16xf32>
        %swap3A = arith.index_cast %add3A_90 : i32 to index
        %swap3A_97 = arith.constant 0 : index
        %swap3A_98 = tpu.vector_load %arg7[%swap3A, %swap3A_97] {strides = array<i32>} : memref<128x64xf32, #tpu.memory_space<vmem>>, vector<1x16xf32>,
        %swap3A_99 = vector.shape_cast %swap3A_98 : vector<1x16xf32> to vector<16xf32>
        %swap3A_100 = vector.shape_cast %mul3A_96 : vector<16xf32> to vector<1x16xf32>
        tpu.vector_store %arg7[%swap3A, %swap3A_97], %swap3A_100 {strides = array<i32>} : memref<128x64xf32, #tpu.memory_space<vmem>>, vector<1x16xf32>,
        %get3A_101 = arith.index_cast %add3A_90 : i32 to index
        %get3A_102 = arith.constant 16 : index
        %get3A_103 = tpu.vector_load %arg7[%get3A_101, %get3A_102] {strides = array<i32>} : memref<128x64xf32, #tpu.memory_space<vmem>>, vector<1x16xf32>,
        %get3A_104 = vector.shape_cast %get3A_103 : vector<1x16xf32> to vector<16xf32>
        %mul3A_105 = arith.constant 8.000000e+00 : f32
        %mul3A_106 = vector.broadcast %mul3A_105 : f32 to vector<16xf32>
        %mul3A_107 = arith.mulf %get3A_104, %mul3A_106 : vector<16xf32>
        %swap3A_108 = arith.index_cast %add3A_90 : i32 to index
        %swap3A_109 = arith.constant 16 : index
        %swap3A_110 = tpu.vector_load %arg7[%swap3A_108, %swap3A_109] {strides = array<i32>} : memref<128x64xf32, #tpu.memory_space<vmem>>, vector<1x16xf32>,
        %swap3A_111 = vector.shape_cast %swap3A_110 : vector<1x16xf32> to vector<16xf32>
        %swap3A_112 = vector.shape_cast %mul3A_107 : vector<16xf32> to vector<1x16xf32>
        tpu.vector_store %arg7[%swap3A_108, %swap3A_109], %swap3A_112 {strides = array<i32>} : memref<128x64xf32, #tpu.memory_space<vmem>>, vector<1x16xf32>,
        %get3A_113 = arith.index_cast %add3A_90 : i32 to index
        %get3A_114 = arith.constant 32 : index
        %get3A_115 = tpu.vector_load %arg7[%get3A_113, %get3A_114] {strides = array<i32>} : memref<128x64xf32, #tpu.memory_space<vmem>>, vector<1x16xf32>,
        %get3A_116 = vector.shape_cast %get3A_115 : vector<1x16xf32> to vector<16xf32>
        %mul3A_117 = arith.constant 8.000000e+00 : f32
        %mul3A_118 = vector.broadcast %mul3A_117 : f32 to vector<16xf32>
        %mul3A_119 = arith.mulf %get3A_116, %mul3A_118 : vector<16xf32>
        %swap3A_120 = arith.index_cast %add3A_90 : i32 to index
        %swap3A_121 = arith.constant 32 : index
        %swap3A_122 = tpu.vector_load %arg7[%swap3A_120, %swap3A_121] {strides = array<i32>} : memref<128x64xf32, #tpu.memory_space<vmem>>, vector<1x16xf32>,
        %swap3A_123 = vector.shape_cast %swap3A_122 : vector<1x16xf32> to vector<16xf32>
        %swap3A_124 = vector.shape_cast %mul3A_119 : vector<16xf32> to vector<1x16xf32>
        tpu.vector_store %arg7[%swap3A_120, %swap3A_121], %swap3A_124 {strides = array<i32>} : memref<128x64xf32, #tpu.memory_space<vmem>>, vector<1x16xf32>,
        %get3A_125 = arith.index_cast %add3A_90 : i32 to index
        %get3A_126 = arith.constant 48 : index
        %get3A_127 = tpu.vector_load %arg7[%get3A_125, %get3A_126] {strides = array<i32>} : memref<128x64xf32, #tpu.memory_space<vmem>>, vector<1x16xf32>,
        %get3A_128 = vector.shape_cast %get3A_127 : vector<1x16xf32> to vector<16xf32>
        %mul3A_129 = arith.constant 8.000000e+00 : f32
        %mul3A_130 = vector.broadcast %mul3A_129 : f32 to vector<16xf32>
        %mul3A_131 = arith.mulf %get3A_128, %mul3A_130 : vector<16xf32>
        %swap3A_132 = arith.index_cast %add3A_90 : i32 to index
        %swap3A_133 = arith.constant 48 : index
        %swap3A_134 = tpu.vector_load %arg7[%swap3A_132, %swap3A_133] {strides = array<i32>} : memref<128x64xf32, #tpu.memory_space<vmem>>, vector<1x16xf32>,
        %swap3A_135 = vector.shape_cast %swap3A_134 : vector<1x16xf32> to vector<16xf32>
        %swap3A_136 = vector.shape_cast %mul3A_131 : vector<16xf32> to vector<1x16xf32>
        tpu.vector_store %arg7[%swap3A_132, %swap3A_133], %swap3A_136 {strides = array<i32>} : memref<128x64xf32, #tpu.memory_space<vmem>>, vector<1x16xf32>,
        %scan3A_137 = arith.constant 1 : i32
        %scan3A_138 = arith.addi %scan3A_86, %scan3A_137 : i32
        %mul3A_139 = arith.constant 1 : i32
        %mul3A_140 = arith.muli %scan3A_138, %mul3A_139 : i32
        %add3A_141 = arith.constant 0 : i32
        %add3A_142 = arith.addi %add3A_141, %mul3A_140 : i32
        %get3A_143 = arith.index_cast %add3A_142 : i32 to index
        %get3A_144 = arith.constant 0 : index
        %get3A_145 = tpu.vector_load %arg7[%get3A_143, %get3A_144] {strides = array<i32>} : memref<128x64xf32, #tpu.memory_space<vmem>>, vector<1x16xf32>,
        %get3A_146 = vector.shape_cast %get3A_145 : vector<1x16xf32> to vector<16xf32>
        %mul3A_147 = arith.constant 8.000000e+00 : f32
        %mul3A_148 = vector.broadcast %mul3A_147 : f32 to vector<16xf32>
        %mul3A_149 = arith.mulf %get3A_146, %mul3A_148 : vector<16xf32>
        %swap3A_150 = arith.index_cast %add3A_142 : i32 to index
        %swap3A_151 = arith.constant 0 : index
        %swap3A_152 = tpu.vector_load %arg7[%swap3A_150, %swap3A_151] {strides = array<i32>} : memref<128x64xf32, #tpu.memory_space<vmem>>, vector<1x16xf32>,
        %swap3A_153 = vector.shape_cast %swap3A_152 : vector<1x16xf32> to vector<16xf32>
        %swap3A_154 = vector.shape_cast %mul3A_149 : vector<16xf32> to vector<1x16xf32>
        tpu.vector_store %arg7[%swap3A_150, %swap3A_151], %swap3A_154 {strides = array<i32>} : memref<128x64xf32, #tpu.memory_space<vmem>>, vector<1x16xf32>,
        %get3A_155 = arith.index_cast %add3A_142 : i32 to index
        %get3A_156 = arith.constant 16 : index
        %get3A_157 = tpu.vector_load %arg7[%get3A_155, %get3A_156] {strides = array<i32>} : memref<128x64xf32, #tpu.memory_space<vmem>>, vector<1x16xf32>,
        %get3A_158 = vector.shape_cast %get3A_157 : vector<1x16xf32> to vector<16xf32>
        %mul3A_159 = arith.constant 8.000000e+00 : f32
        %mul3A_160 = vector.broadcast %mul3A_159 : f32 to vector<16xf32>
        %mul3A_161 = arith.mulf %get3A_158, %mul3A_160 : vector<16xf32>
        %swap3A_162 = arith.index_cast %add3A_142 : i32 to index
        %swap3A_163 = arith.constant 16 : index
        %swap3A_164 = tpu.vector_load %arg7[%swap3A_162, %swap3A_163] {strides = array<i32>} : memref<128x64xf32, #tpu.memory_space<vmem>>, vector<1x16xf32>,
        %swap3A_165 = vector.shape_cast %swap3A_164 : vector<1x16xf32> to vector<16xf32>
        %swap3A_166 = vector.shape_cast %mul3A_161 : vector<16xf32> to vector<1x16xf32>
        tpu.vector_store %arg7[%swap3A_162, %swap3A_163], %swap3A_166 {strides = array<i32>} : memref<128x64xf32, #tpu.memory_space<vmem>>, vector<1x16xf32>,
        %get3A_167 = arith.index_cast %add3A_142 : i32 to index
        %get3A_168 = arith.constant 32 : index
        %get3A_169 = tpu.vector_load %arg7[%get3A_167, %get3A_168] {strides = array<i32>} : memref<128x64xf32, #tpu.memory_space<vmem>>, vector<1x16xf32>,
        %get3A_170 = vector.shape_cast %get3A_169 : vector<1x16xf32> to vector<16xf32>
        %mul3A_171 = arith.constant 8.000000e+00 : f32
        %mul3A_172 = vector.broadcast %mul3A_171 : f32 to vector<16xf32>
        %mul3A_173 = arith.mulf %get3A_170, %mul3A_172 : vector<16xf32>
        %swap3A_174 = arith.index_cast %add3A_142 : i32 to index
        %swap3A_175 = arith.constant 32 : index
        %swap3A_176 = tpu.vector_load %arg7[%swap3A_174, %swap3A_175] {strides = array<i32>} : memref<128x64xf32, #tpu.memory_space<vmem>>, vector<1x16xf32>,
        %swap3A_177 = vector.shape_cast %swap3A_176 : vector<1x16xf32> to vector<16xf32>
        %swap3A_178 = vector.shape_cast %mul3A_173 : vector<16xf32> to vector<1x16xf32>
        tpu.vector_store %arg7[%swap3A_174, %swap3A_175], %swap3A_178 {strides = array<i32>} : memref<128x64xf32, #tpu.memory_space<vmem>>, vector<1x16xf32>,
        %get3A_179 = arith.index_cast %add3A_142 : i32 to index
        %get3A_180 = arith.constant 48 : index
        %get3A_181 = tpu.vector_load %arg7[%get3A_179, %get3A_180] {strides = array<i32>} : memref<128x64xf32, #tpu.memory_space<vmem>>, vector<1x16xf32>,
        %get3A_182 = vector.shape_cast %get3A_181 : vector<1x16xf32> to vector<16xf32>
        %mul3A_183 = arith.constant 8.000000e+00 : f32
        %mul3A_184 = vector.broadcast %mul3A_183 : f32 to vector<16xf32>
        %mul3A_185 = arith.mulf %get3A_182, %mul3A_184 : vector<16xf32>
        %swap3A_186 = arith.index_cast %add3A_142 : i32 to index
        %swap3A_187 = arith.constant 48 : index
        %swap3A_188 = tpu.vector_load %arg7[%swap3A_186, %swap3A_187] {strides = array<i32>} : memref<128x64xf32, #tpu.memory_space<vmem>>, vector<1x16xf32>,
        %swap3A_189 = vector.shape_cast %swap3A_188 : vector<1x16xf32> to vector<16xf32>
        %swap3A_190 = vector.shape_cast %mul3A_185 : vector<16xf32> to vector<1x16xf32>
        tpu.vector_store %arg7[%swap3A_186, %swap3A_187], %swap3A_190 {strides = array<i32>} : memref<128x64xf32, #tpu.memory_space<vmem>>, vector<1x16xf32>,
        %scan3A_191 = arith.constant 2 : i32
        %scan3A_192 = arith.addi %scan3A_86, %scan3A_191 : i32
        %mul3A_193 = arith.constant 1 : i32
        %mul3A_194 = arith.muli %scan3A_192, %mul3A_193 : i32
        %add3A_195 = arith.constant 0 : i32
        %add3A_196 = arith.addi %add3A_195, %mul3A_194 : i32
        %get3A_197 = arith.index_cast %add3A_196 : i32 to index
        %get3A_198 = arith.constant 0 : index
        %get3A_199 = tpu.vector_load %arg7[%get3A_197, %get3A_198] {strides = array<i32>} : memref<128x64xf32, #tpu.memory_space<vmem>>, vector<1x16xf32>,
        %get3A_200 = vector.shape_cast %get3A_199 : vector<1x16xf32> to vector<16xf32>
        %mul3A_201 = arith.constant 8.000000e+00 : f32
        %mul3A_202 = vector.broadcast %mul3A_201 : f32 to vector<16xf32>
        %mul3A_203 = arith.mulf %get3A_200, %mul3A_202 : vector<16xf32>
        %swap3A_204 = arith.index_cast %add3A_196 : i32 to index
        %swap3A_205 = arith.constant 0 : index
        %swap3A_206 = tpu.vector_load %arg7[%swap3A_204, %swap3A_205] {strides = array<i32>} : memref<128x64xf32, #tpu.memory_space<vmem>>, vector<1x16xf32>,
        %swap3A_207 = vector.shape_cast %swap3A_206 : vector<1x16xf32> to vector<16xf32>
        %swap3A_208 = vector.shape_cast %mul3A_203 : vector<16xf32> to vector<1x16xf32>
        tpu.vector_store %arg7[%swap3A_204, %swap3A_205], %swap3A_208 {strides = array<i32>} : memref<128x64xf32, #tpu.memory_space<vmem>>, vector<1x16xf32>,
        %get3A_209 = arith.index_cast %add3A_196 : i32 to index
        %get3A_210 = arith.constant 16 : index
        %get3A_211 = tpu.vector_load %arg7[%get3A_209, %get3A_210] {strides = array<i32>} : memref<128x64xf32, #tpu.memory_space<vmem>>, vector<1x16xf32>,
        %get3A_212 = vector.shape_cast %get3A_211 : vector<1x16xf32> to vector<16xf32>
        %mul3A_213 = arith.constant 8.000000e+00 : f32
        %mul3A_214 = vector.broadcast %mul3A_213 : f32 to vector<16xf32>
        %mul3A_215 = arith.mulf %get3A_212, %mul3A_214 : vector<16xf32>
        %swap3A_216 = arith.index_cast %add3A_196 : i32 to index
        %swap3A_217 = arith.constant 16 : index
        %swap3A_218 = tpu.vector_load %arg7[%swap3A_216, %swap3A_217] {strides = array<i32>} : memref<128x64xf32, #tpu.memory_space<vmem>>, vector<1x16xf32>,
        %swap3A_219 = vector.shape_cast %swap3A_218 : vector<1x16xf32> to vector<16xf32>
        %swap3A_220 = vector.shape_cast %mul3A_215 : vector<16xf32> to vector<1x16xf32>
        tpu.vector_store %arg7[%swap3A_216, %swap3A_217], %swap3A_220 {strides = array<i32>} : memref<128x64xf32, #tpu.memory_space<vmem>>, vector<1x16xf32>,
        %get3A_221 = arith.index_cast %add3A_196 : i32 to index
        %get3A_222 = arith.constant 32 : index
        %get3A_223 = tpu.vector_load %arg7[%get3A_221, %get3A_222] {strides = array<i32>} : memref<128x64xf32, #tpu.memory_space<vmem>>, vector<1x16xf32>,
        %get3A_224 = vector.shape_cast %get3A_223 : vector<1x16xf32> to vector<16xf32>
        %mul3A_225 = arith.constant 8.000000e+00 : f32
        %mul3A_226 = vector.broadcast %mul3A_225 : f32 to vector<16xf32>
        %mul3A_227 = arith.mulf %get3A_224, %mul3A_226 : vector<16xf32>
        %swap3A_228 = arith.index_cast %add3A_196 : i32 to index
        %swap3A_229 = arith.constant 32 : index
        %swap3A_230 = tpu.vector_load %arg7[%swap3A_228, %swap3A_229] {strides = array<i32>} : memref<128x64xf32, #tpu.memory_space<vmem>>, vector<1x16xf32>,
        %swap3A_231 = vector.shape_cast %swap3A_230 : vector<1x16xf32> to vector<16xf32>
        %swap3A_232 = vector.shape_cast %mul3A_227 : vector<16xf32> to vector<1x16xf32>
        tpu.vector_store %arg7[%swap3A_228, %swap3A_229], %swap3A_232 {strides = array<i32>} : memref<128x64xf32, #tpu.memory_space<vmem>>, vector<1x16xf32>,
        %get3A_233 = arith.index_cast %add3A_196 : i32 to index
        %get3A_234 = arith.constant 48 : index
        %get3A_235 = tpu.vector_load %arg7[%get3A_233, %get3A_234] {strides = array<i32>} : memref<128x64xf32, #tpu.memory_space<vmem>>, vector<1x16xf32>,
        %get3A_236 = vector.shape_cast %get3A_235 : vector<1x16xf32> to vector<16xf32>
        %mul3A_237 = arith.constant 8.000000e+00 : f32
        %mul3A_238 = vector.broadcast %mul3A_237 : f32 to vector<16xf32>
        %mul3A_239 = arith.mulf %get3A_236, %mul3A_238 : vector<16xf32>
        %swap3A_240 = arith.index_cast %add3A_196 : i32 to index
        %swap3A_241 = arith.constant 48 : index
        %swap3A_242 = tpu.vector_load %arg7[%swap3A_240, %swap3A_241] {strides = array<i32>} : memref<128x64xf32, #tpu.memory_space<vmem>>, vector<1x16xf32>,
        %swap3A_243 = vector.shape_cast %swap3A_242 : vector<1x16xf32> to vector<16xf32>
        %swap3A_244 = vector.shape_cast %mul3A_239 : vector<16xf32> to vector<1x16xf32>
        tpu.vector_store %arg7[%swap3A_240, %swap3A_241], %swap3A_244 {strides = array<i32>} : memref<128x64xf32, #tpu.memory_space<vmem>>, vector<1x16xf32>,
        %scan3A_245 = arith.constant 3 : i32
        %scan3A_246 = arith.addi %scan3A_86, %scan3A_245 : i32
        %mul3A_247 = arith.constant 1 : i32
        %mul3A_248 = arith.muli %scan3A_246, %mul3A_247 : i32
        %add3A_249 = arith.constant 0 : i32
        %add3A_250 = arith.addi %add3A_249, %mul3A_248 : i32
        %get3A_251 = arith.index_cast %add3A_250 : i32 to index
        %get3A_252 = arith.constant 0 : index
        %get3A_253 = tpu.vector_load %arg7[%get3A_251, %get3A_252] {strides = array<i32>} : memref<128x64xf32, #tpu.memory_space<vmem>>, vector<1x16xf32>,
        %get3A_254 = vector.shape_cast %get3A_253 : vector<1x16xf32> to vector<16xf32>
        %mul3A_255 = arith.constant 8.000000e+00 : f32
        %mul3A_256 = vector.broadcast %mul3A_255 : f32 to vector<16xf32>
        %mul3A_257 = arith.mulf %get3A_254, %mul3A_256 : vector<16xf32>
        %swap3A_258 = arith.index_cast %add3A_250 : i32 to index
        %swap3A_259 = arith.constant 0 : index
        %swap3A_260 = tpu.vector_load %arg7[%swap3A_258, %swap3A_259] {strides = array<i32>} : memref<128x64xf32, #tpu.memory_space<vmem>>, vector<1x16xf32>,
        %swap3A_261 = vector.shape_cast %swap3A_260 : vector<1x16xf32> to vector<16xf32>
        %swap3A_262 = vector.shape_cast %mul3A_257 : vector<16xf32> to vector<1x16xf32>
        tpu.vector_store %arg7[%swap3A_258, %swap3A_259], %swap3A_262 {strides = array<i32>} : memref<128x64xf32, #tpu.memory_space<vmem>>, vector<1x16xf32>,
        %get3A_263 = arith.index_cast %add3A_250 : i32 to index
        %get3A_264 = arith.constant 16 : index
        %get3A_265 = tpu.vector_load %arg7[%get3A_263, %get3A_264] {strides = array<i32>} : memref<128x64xf32, #tpu.memory_space<vmem>>, vector<1x16xf32>,
        %get3A_266 = vector.shape_cast %get3A_265 : vector<1x16xf32> to vector<16xf32>
        %mul3A_267 = arith.constant 8.000000e+00 : f32
        %mul3A_268 = vector.broadcast %mul3A_267 : f32 to vector<16xf32>
        %mul3A_269 = arith.mulf %get3A_266, %mul3A_268 : vector<16xf32>
        %swap3A_270 = arith.index_cast %add3A_250 : i32 to index
        %swap3A_271 = arith.constant 16 : index
        %swap3A_272 = tpu.vector_load %arg7[%swap3A_270, %swap3A_271] {strides = array<i32>} : memref<128x64xf32, #tpu.memory_space<vmem>>, vector<1x16xf32>,
        %swap3A_273 = vector.shape_cast %swap3A_272 : vector<1x16xf32> to vector<16xf32>
        %swap3A_274 = vector.shape_cast %mul3A_269 : vector<16xf32> to vector<1x16xf32>
        tpu.vector_store %arg7[%swap3A_270, %swap3A_271], %swap3A_274 {strides = array<i32>} : memref<128x64xf32, #tpu.memory_space<vmem>>, vector<1x16xf32>,
        %get3A_275 = arith.index_cast %add3A_250 : i32 to index
        %get3A_276 = arith.constant 32 : index
        %get3A_277 = tpu.vector_load %arg7[%get3A_275, %get3A_276] {strides = array<i32>} : memref<128x64xf32, #tpu.memory_space<vmem>>, vector<1x16xf32>,
        %get3A_278 = vector.shape_cast %get3A_277 : vector<1x16xf32> to vector<16xf32>
        %mul3A_279 = arith.constant 8.000000e+00 : f32
        %mul3A_280 = vector.broadcast %mul3A_279 : f32 to vector<16xf32>
        %mul3A_281 = arith.mulf %get3A_278, %mul3A_280 : vector<16xf32>
        %swap3A_282 = arith.index_cast %add3A_250 : i32 to index
        %swap3A_283 = arith.constant 32 : index
        %swap3A_284 = tpu.vector_load %arg7[%swap3A_282, %swap3A_283] {strides = array<i32>} : memref<128x64xf32, #tpu.memory_space<vmem>>, vector<1x16xf32>,
        %swap3A_285 = vector.shape_cast %swap3A_284 : vector<1x16xf32> to vector<16xf32>
        %swap3A_286 = vector.shape_cast %mul3A_281 : vector<16xf32> to vector<1x16xf32>
        tpu.vector_store %arg7[%swap3A_282, %swap3A_283], %swap3A_286 {strides = array<i32>} : memref<128x64xf32, #tpu.memory_space<vmem>>, vector<1x16xf32>,
        %get3A_287 = arith.index_cast %add3A_250 : i32 to index
        %get3A_288 = arith.constant 48 : index
        %get3A_289 = tpu.vector_load %arg7[%get3A_287, %get3A_288] {strides = array<i32>} : memref<128x64xf32, #tpu.memory_space<vmem>>, vector<1x16xf32>,
        %get3A_290 = vector.shape_cast %get3A_289 : vector<1x16xf32> to vector<16xf32>
        %mul3A_291 = arith.constant 8.000000e+00 : f32
        %mul3A_292 = vector.broadcast %mul3A_291 : f32 to vector<16xf32>
        %mul3A_293 = arith.mulf %get3A_290, %mul3A_292 : vector<16xf32>
        %swap3A_294 = arith.index_cast %add3A_250 : i32 to index
        %swap3A_295 = arith.constant 48 : index
        %swap3A_296 = tpu.vector_load %arg7[%swap3A_294, %swap3A_295] {strides = array<i32>} : memref<128x64xf32, #tpu.memory_space<vmem>>, vector<1x16xf32>,
        %swap3A_297 = vector.shape_cast %swap3A_296 : vector<1x16xf32> to vector<16xf32>
        %swap3A_298 = vector.shape_cast %mul3A_293 : vector<16xf32> to vector<1x16xf32>
        tpu.vector_store %arg7[%swap3A_294, %swap3A_295], %swap3A_298 {strides = array<i32>} : memref<128x64xf32, #tpu.memory_space<vmem>>, vector<1x16xf32>,
      }
      %scan3A_78 = arith.constant 128 : i32
      %mul3A_79 = arith.constant 128 : i32
      %mul3A_80 = arith.muli %add3A_52, %mul3A_79 : i32
      %add3A_81 = arith.addi %mul3A_2, %mul3A_80 : i32
      %dma_start3A_82 = arith.constant 0 : i32
      %dma_start3A_83 = tpu.memref_slice %arg4[%add3A_81, %dma_start3A_82] : memref<819200x64xf32, #tpu.memory_space<hbm>> -> memref<128x64xf32, #tpu.memory_space<hbm>>
      %dma_start3A_84 = arith.constant 0 : i32
      %dma_start3A_85 = tpu.memref_slice %arg4[%add3A_81, %dma_start3A_84] : memref<819200x64xf32, #tpu.memory_space<hbm>> -> memref<128x64xf32, #tpu.memory_space<hbm>>
      tpu.enqueue_dma source(%arg7 : memref<128x64xf32, #tpu.memory_space<vmem>>) target(%dma_start3A_85 : memref<128x64xf32, #tpu.memory_space<hbm>>) target_semaphore(%arg11 : memref<!tpu.dma_semaphore, #tpu.memory_space<semaphore_mem>>)
    }
    %scan3A_12 = arith.constant 100 : i32
    %add3A_13 = arith.constant 25472 : i32
    %add3A_14 = arith.addi %mul3A_2, %add3A_13 : i32
    %dma_wait3A = arith.constant 0 : i32
    %dma_wait3A_15 = tpu.memref_slice %arg4[%add3A_14, %dma_wait3A] : memref<819200x64xf32, #tpu.memory_space<hbm>> -> memref<128x64xf32, #tpu.memory_space<hbm>>
    %dma_wait3A_16 = arith.constant 0 : i32
    %dma_wait3A_17 = tpu.memref_slice %arg4[%add3A_14, %dma_wait3A_16] : memref<819200x64xf32, #tpu.memory_space<hbm>> -> memref<128x64xf32, #tpu.memory_space<hbm>>
    tpu.wait_dma2 semaphore(%arg11 : memref<!tpu.dma_semaphore, #tpu.memory_space<semaphore_mem>>) src(%arg7 : memref<128x64xf32, #tpu.memory_space<vmem>>) dst(%dma_wait3A_17 : memref<128x64xf32, #tpu.memory_space<hbm>>)
    return
  }
}

</mosaic_0001>

<sc_bundles>
// kernel: _emb_call.3.cloned.1.call-start
scs
__scs_entry_jumppad:
0x0: {  	(pc) =	sbr.rel $0x88, $3  }
0x1: {  	(tag) =	ssettag $0x0;
	lr =	simm.s32 $0x1  }
0x2: {  	[smem:$0x3F9F] =	sst lr;
	_ =	strace $0xD0000000  }
0x3: {  	_ = 	snop  }
0x4: {  	_ = 	snop  }
0x5: {  	_ = 	snop  }
0x6: {  	_ = 	snop  }
0x7: {  	_ = 	snop  }
__scs_overlays_trampoline_lowered:
0x8: {  	[smem:$0x3FAE] =	sst s0  }
0x9: {  	[smem:$0x3FAF] =	sst s1  }
0xa: {  	[smem:$0x3FB0] =	sst s2  }
0xb: {  	[smem:$0x3FB1] =	sst s3  }
0xc: {  	[smem:$0x3FB2] =	sst s4  }
0xd: {  	[smem:$0x3FB3] =	sst s5  }
0xe: {  	[smem:$0x3FB4] =	sst s6  }
0xf: {  	[smem:$0x3FB5] =	sst s7  }
0x10: {  	[smem:$0x3FB6] =	sst s8  }
0x11: {  	[smem:$0x3FB7] =	sst s9;
	s0 =	simm.s32 @!p0 $0x0  }
0x12: {  	s1 =	sld [smem:$0x3F9D];
	s0 =	simm.s32 @p0 $0x1  }
0x13: {  	[smem:$0x3FB8] =	sst s0;
	s0 =	simm.s32 @!p1 $0x0  }
0x14: {  	s2 =	sld [smem:$0x3F9C];
	s0 =	simm.s32 @p1 $0x1  }
0x15: {  	[smem:$0x3FB9] =	sst s0;
	s0 =	simm.s32 @!p2 $0x0  }
0x16: {  	s3 =	sld [smem:$0x3FDB];
	s0 =	simm.s32 @p2 $0x1  }
0x17: {  	s4 =	simm.s32 $0x1BF5;
	[smem:$0x3FBB] =	sst s0  }
0x18: {  	s0 =	sld [smem:$0x3F9E];
	_ =	swait.ge [sflag:s4], $0x0  }
0x19: {  	s7 =	sld [smem:$0x3F9F]  }
0x1a: {  	s8 =	sadd.s32 $0xFFFFE003, lr  }
0x1b: {  	s9 =	sadd.s32 $0xFFFFFEF7, lr;
	s5 =	simm.s32 $0xFFFFFFFF;
	p2 =	slt.u32 s8, $0xFFFFF086  }
0x1c: {  	p1 =	slt.u32 s9, $0xF7A;
	s5 =	simm.s32 @!p2 $0x0  }
0x1d: {  	s5 =	simm.s32 @p1 $0x1;
	p0 =	seq.s32 s7, s2  }
0x1e: {  	s7 =	smul.u32 @!p0 $0xF7A, s2;
	p2 =	seq.s32 @!p0 s5, $0x0  }
0x1f: {  	s9 =	smul.u32 $0xF7A, s1;
	s8 =	simm.s32 @!p0 $0x1BF5;
	p2 =	por !p2, p0  }
0x20: {  	[sflag:s8] =	ssyncset.s32 @!p0 $0xFFFFF086;
	s6 =	sadd.s32 @!p0 s3, s7;
	s7 =	simm.s32 @!p0 $0x108  }
0x21: {  	s3 =	sadd.s32 s3, s9;
	s6 =	sadd.s32 @!p0 $0x88, s6;
	s7 =	simm.s32 @p2 $0x1082  }
0x22: {  	[simem:s7], [sflag:s8] =	dma.local @!p0 [hbm:s6], $0xF7A  }
0x23: {  	s9 =	sor.u32 $0xD0000000, s2;
	s6 =	simm.s32 $0x108;
	_ =	swait.ge @!p0 [sflag:s8], $0x0  }
0x24: {  	s3 =	sadd.s32 $0x88, s3;
	s6 =	simm.s32 @!p1 $0x1082;
	[sflag:s4] =	ssyncset.s32 $0xFFFFF086  }
0x25: {  	[simem:s6], [sflag:s4] =	dma.local [hbm:s3], $0xF7A  }
0x26: {  	[smem:$0x3F9F] =	sst s1;
	(tag) =	ssettag s2;
	_ =	strace s9  }
0x27: {  	s1 =	sld [smem:$0x3FAF]  }
0x28: {  	s2 =	sld [smem:$0x3FB0]  }
0x29: {  	s4 =	sld [smem:$0x3FB2]  }
0x2a: {  	p0 =	seq.s32 s5, $0x0;
	s5 =	sld [smem:$0x3FB3]  }
0x2b: {  	s6 =	sld [smem:$0x3FB4]  }
0x2c: {  	s7 =	sld [smem:$0x3FB5]  }
0x2d: {  	s3 =	simm.s32 $0x108;
	s8 =	sld [smem:$0x3FB6]  }
0x2e: {  	s3 =	simm.s32 @!p0 $0x1082;
	s9 =	sld [smem:$0x3FB7]  }
0x2f: {  	lr =	sadd.s32 s0, s3;
	s0 =	sld [smem:$0x3FAE]  }
0x30: {  	s3 =	sld [smem:$0x3FB1]  }
0x31: {  	[smem:$0x3FBA] =	sst s10  }
0x32: {  	s10 =	sld [smem:$0x3FB8];
	_ =	sdelay $0x3  }
0x33: {  	p0 =	seq.s32 s10, $0x1;
	s10 =	sld [smem:$0x3FBA];
	_ =	sdelay $0x3  }
0x34: {  	[smem:$0x3FBA] =	sst s10  }
0x35: {  	s10 =	sld [smem:$0x3FB9];
	_ =	sdelay $0x3  }
0x36: {  	p1 =	seq.s32 s10, $0x1;
	s10 =	sld [smem:$0x3FBA];
	_ =	sdelay $0x3  }
0x37: {  	[smem:$0x3FBA] =	sst s10  }
0x38: {  	s10 =	sld [smem:$0x3FBB]  }
0x39: {  	_ = 	snop;
	(pc) =	sbr.ind lr, $3  }
0x3a: {  	_ = 	snop  }
0x3b: {  	_ = 	snop  }
0x3c: {  	p2 =	seq.s32 s10, $0x1;
	s10 =	sld [smem:$0x3FBA]  }
0x3d: {  	_ =	shalt  }
0x3e: {  	_ =	shalt  }
0x3f: {  	_ =	shalt  }
0x40: {  	_ =	shalt  }
0x41: {  	_ =	shalt  }
0x42: {  	_ =	shalt  }
0x43: {  	_ =	shalt  }
0x44: {  	_ =	shalt  }
0x45: {  	_ =	shalt  }
0x46: {  	_ =	shalt  }
0x47: {  	_ =	shalt  }
0x48: {  	_ =	shalt  }
0x49: {  	_ =	shalt  }
0x4a: {  	_ =	shalt  }
0x4b: {  	_ =	shalt  }
0x4c: {  	_ =	shalt  }
0x4d: {  	_ =	shalt  }
0x4e: {  	_ =	shalt  }
0x4f: {  	_ =	shalt  }
0x50: {  	_ =	shalt  }
0x51: {  	_ =	shalt  }
0x52: {  	_ =	shalt  }
0x53: {  	_ =	shalt  }
0x54: {  	_ =	shalt  }
0x55: {  	_ =	shalt  }
0x56: {  	_ =	shalt  }
0x57: {  	_ =	shalt  }
0x58: {  	_ =	shalt  }
0x59: {  	_ =	shalt  }
0x5a: {  	_ =	shalt  }
0x5b: {  	_ =	shalt  }
0x5c: {  	_ =	shalt  }
0x5d: {  	_ =	shalt  }
0x5e: {  	_ =	shalt  }
0x5f: {  	_ =	shalt  }
0x60: {  	_ =	shalt  }
0x61: {  	_ =	shalt  }
0x62: {  	_ =	shalt  }
0x63: {  	_ =	shalt  }
0x64: {  	_ =	shalt  }
0x65: {  	_ =	shalt  }
0x66: {  	_ =	shalt  }
0x67: {  	_ =	shalt  }
0x68: {  	_ =	shalt  }
0x69: {  	_ =	shalt  }
0x6a: {  	_ =	shalt  }
0x6b: {  	_ =	shalt  }
0x6c: {  	_ =	shalt  }
0x6d: {  	_ =	shalt  }
0x6e: {  	_ =	shalt  }
0x6f: {  	_ =	shalt  }
0x70: {  	_ =	shalt  }
0x71: {  	_ =	shalt  }
0x72: {  	_ =	shalt  }
0x73: {  	_ =	shalt  }
0x74: {  	_ =	shalt  }
0x75: {  	_ =	shalt  }
0x76: {  	_ =	shalt  }
0x77: {  	_ =	shalt  }
0x78: {  	_ =	shalt  }
0x79: {  	_ =	shalt  }
0x7a: {  	_ =	shalt  }
0x7b: {  	_ =	shalt  }
0x7c: {  	_ =	shalt  }
0x7d: {  	_ =	shalt  }
0x7e: {  	_ =	shalt  }
0x7f: {  	_ =	shalt  }
0x80: {  	_ =	shalt  }
0x81: {  	_ =	shalt  }
0x82: {  	_ =	shalt  }
0x83: {  	_ =	shalt  }
0x84: {  	_ =	shalt  }
0x85: {  	_ =	shalt  }
0x86: {  	_ =	shalt  }
0x87: {  	_ =	shalt  }
.Lfunc_end0:
.L_simem_size_0:
called_computation.1_lowered:
.L_overlay_start_0:
0x88: {  	s2 =	sld [smem:$0x3FD9]  }
0x89: {  	s3 =	sld [smem:$0x3FFE];
	_ =	sdelay $0x1  }
0x8a: {  	s1 =	srdreg.scid  }
0x8b: {  	s0 =	sand.u32 $0x1, s1  }
0x8c: {  	s17 =	sshll.u32 s0, $0xA;
	s2 =	sadd.s32 s3, s2  }
0x8d: {  	s2 =	sadd.s32 s2, s17  }
0x8e: {  	[smem:$0x3FC6] =	sst s2  }
0x8f: {  	_ = 	snop  }
0x90: {  	s2 =	sld [smem:$0x3FC9]  }
0x91: {  	s18 =	sld [smem:$0x3FD0];
	(tm) =	ssettm $0x1  }
0x92: {  	s4 =	sld [smem:$0x3FFB];
	_ =	sdelay $0x3  }
0x93: {  	_ =	strace s4  }
0x94: {  	s4 =	sld [smem:$0x3FFC];
	_ =	sdelay $0x3  }
0x95: {  	_ =	strace s4  }
0x96: {  	s4 =	sld [smem:$0x3FFD];
	_ =	sdelay $0x3  }
0x97: {  	_ =	strace s4  }
0x98: {  	_ =	strace $0x8FFFFFFF  }
0x99: {  	s19 =	sld [smem:$0x3FDB];
	_ =	sdelay $0x1  }
0x9a: {  	s5 =	simm.s32 $_scs_section_size  }
0x9b: {  	s6 =	simm.s32 $_size__tile_overlayer_lowered;
	s7 =	simm.s32 $_tile_overlayer_lowered  }
0x9c: {  	s22 =	simm.s32 $0x1BFF;
	s21 =	sshll.u32 s7, $0x1;
	s4 =	sadd.s32 s5, s19  }
0x9d: {  	s8 =	simm.s32 $0x0;
	s20 =	sshll.u32 s6, $0x1;
	s6 =	sadd.s32 s21, s4  }
0x9e: {  	[timem:s8], [sflag:s22] =	dma.local [hbm:s6], s20  }
0x9f: {  	_ =	swait.ge [sflag:s22], s20  }
0xa0: {  	s5 =	ssub.s32 $0x0, s20;
	[sflag:s22] =	ssyncset.done $0x0  }
0xa1: {  	[sflag:s22] =	ssyncadd.s32 s5;
	_ =	sdelay $0x1  }
0xa2: {  	s23 =	simm.s32 $0x1B8B  }
0xa3: {  	_ =	swait.ge [sflag:s23], $0x1  }
0xa4: {  	[sflag:s23] =	ssyncset.done $0x0  }
0xa5: {  	s25 =	simm.s32 $0x1B8E;
	s24 =	sld [smem:$0x3FFE];
	[sflag:s23] =	ssyncadd.s32 $0xFFFFFFFF  }
0xa6: {  	s26 =	simm.s32 $execute0_lowered;
	[smem:$0x3FD2] =	sst s25  }
0xa7: {  	s6 =	sshll.u32 s26, $0x1;
	_ =	strace $0x80000046;
	[dreg:$0x1] =	wrdreg $0xFFFFFFFF  }
0xa8: {  	s28 =	simm.s32 $_size_execute0_lowered;
	s4 =	sadd.s32 s4, s6;
	[dreg:$0x0] =	wrdreg $0x0  }
0xa9: {  	s6 =	sshll.u32 s28, $0x1;
	[dreg:$0x2] =	wrdreg s4  }
0xaa: {  	[dreg:$0x3] =	wrdreg s6  }
0xab: {  	[dreg:$0x4] =	wrdreg $0xC0  }
0xac: {  	_ =	task [dreg:s8], $0x5FFFF  }
0xad: {  	[dreg:$0x1] =	wrdreg $0xFFFFFFFF  }
0xae: {  	[dreg:$0x0] =	wrdreg $0x60  }
0xaf: {  	[dreg:$0x2] =	wrdreg s2  }
0xb0: {  	[dreg:$0x3] =	wrdreg s24  }
0xb1: {  	[dreg:$0x4] =	wrdreg s18  }
0xb2: {  	[dreg:$0x5] =	wrdreg $0x9  }
0xb3: {  	_ =	task.clear_ibuf [dreg:s8], $0x6FFFF;
	_ =	strace $0x90000046  }
0xb4: {  	s29 =	simm.s32 $0x9;
	_ =	strace $0x80000048  }
0xb5: {  	_ =	swait.ge [sflag:s29], $0x1  }
0xb6: {  	[sflag:s29] =	ssyncadd.s32 $0xFFFFFFFF  }
0xb7: {  	_ =	strace $0x90000048  }
0xb8: {  	_ =	sfence  }
0xb9: {  	s30 =	sld [smem:$0x0];
	_ =	sdelay $0x2  }
0xba: {  	s31 =	sshll.u32 s1, $0xD;
	s1 =	sshrl.u32 s1, $0x2  }
0xbb: {  	s3 =	sand.u32 $0x4000, s31;
	s1 =	sadd.s32 s1, s30  }
0xbc: {  	s0 =	sor.u32 s3, s0;
	s1 =	sshll.u32 s1, $0x11  }
0xbd: {  	s0 =	sor.u32 s1, s0  }
0xbe: {  	s0 =	sadd.s32 $0x8F2B, s0  }
0xbf: {  	[sflag:s0] =	ssyncadd.remote.s32 $0x1  }
0xc0: {  	_ =	sfence.sel $0xFFFF  }
0xc1: {  	[dreg:$0x0] =	wrdreg $0xFFFFFFFF;
	(pc) =	sbr.abs _section_cstart, $3  }
0xc2: {  	[dreg:$0x1] =	wrdreg $0xFFFFFFFF  }
0xc3: {  	_ =	task.clear_ibuf [dreg:s8], $0x2FFFF;
	_ =	strace $0x9FFFFFFF  }
0xc4: {  	(tm) =	ssettm $0x7FFFFFFF  }
0xc5: {  	_ =	shalt  }
tec
execute0_lowered:
.L_overlay_start_1:
0x0: {  	(tag) =	ssettag $0x1  }
0x1: {  	s5 =	rddreg [dreg:$0x0]  }
0x2: {  	s4 =	rddreg [dreg:$0x1]  }
0x3: {  	s2 =	rddreg [dreg:$0x2]  }
0x4: {  	s3 =	srdreg.scid;
	s1 =	stileid.u32  }
0x5: {  	s0 =	rddreg [dreg:$0x3];
	s10 =	simm.s32 $0x6400;
	s11 =	simm.s32 $0x8400  }
0x6: {  	s12 =	simm.s32 $0x1;
	s13 =	simm.s32 $0x3;
	s14 =	simm.s32 $0x2  }
0x7: {  	s15 =	simm.s32 $0x4;
	s16 =	simm.s32 $0x0;
	s6 =	sand.u32 $0x1, s3  }
0x8: {  	s7 =	sshll.u32 s1, $0x1;
	s3 =	simm.s32 $0x0;
	s4 =	sadd.s32 $0xF42C00, s4  }
0x9: {  	s8 =	ssub.s32 $0x2, s6;
	s6 =	sor.u32 s6, s7;
	[smem:$0x7FF] =	sst s3  }
0xa: {  	s31 =	sshrl.u32 s8, $0x1;
	s9 =	smul.u32 $0xC80, s6;
	_ =	strace $0x80000047  }
0xb: {  	s6 =	smul.u32 $0x190000, s6;
	s7 =	ssub.s32 s8, s31;
	s8 =	simm.s32 $0x5  }
0xc: {  	s5 =	sadd.s32 s5, s9;
	s7 =	smax.u32 s7, $0x1;
	s9 =	simm.s32 $0x80  }
.LBB2_1:
0xd: {  	[tilespmem:s3], [sflag:$0x5] =	stream.linear.gather [hbm4b:s5+s3], $0x6400, $0x38;
	[tilespmem:$0xA400] =	vst v63  }
0xe: {  	_ =	swait.ge [sflag:s8], $0x6400  }
0xf: {  	[sflag:s8] =	ssyncset.done $0x0  }
0x10: {  	s17 =	simm.s32 $0x0;
	[sflag:s8] =	ssyncadd.s32 $0xFFFF9C00  }
0x11: {  	[tilespmem:s10], [sflag:$0x1] =	stream.indirect.gather [hbm4b:s4+s9], $0x40, s3, s9, $0xb8;
	[tilespmem:$0xA400] =	vst v63  }
.LBB2_2:
0x12: {  	p0 =	seq.s32 s17, $0x0  }
0x13: {  	s18 =	sshll.u32 s17, $0x1;
	s19 =	simm.s32 @!p0 $0x4  }
0x14: {  	s18 =	sor.u32 $0x1, s18;
	_ =	swait.ge @!p0 [sflag:s19], $0x2000  }
0x15: {  	s20 =	sshll.u32 s18, $0x7;
	[sflag:s19] =	ssyncset.done @!p0 $0x0  }
0x16: {  	s31 =	sand.u32 $0x3FFFFF80, s20;
	[sflag:s19] =	ssyncadd.s32 @!p0 $0xFFFFE000  }
0x17: {  	[tilespmem:s11], [sflag:$0x2] =	stream.indirect.gather [hbm4b:s4+s9], $0x40, s31, s9, $0xb8;
	[tilespmem:$0xA400] =	vst v63  }
0x18: {  	_ =	swait.ge [sflag:s12], $0x2000  }
0x19: {  	[sflag:s12] =	ssyncset.done $0x0  }
0x1a: {  	s19 =	simm.s32 $0x6480;
	[sflag:s12] =	ssyncadd.s32 $0xFFFFE000  }
0x1b: {  	v0 =	vld [tilespmem:s19+$0xFFFFFF80]  }
0x1c: {  	v1 =	vld [tilespmem:s19+$0xFFFFFF90]  }
0x1d: {  	v2 =	vld [tilespmem:s19+$0xFFFFFFA0]  }
0x1e: {  	v3 =	vld [tilespmem:s19+$0xFFFFFFB0]  }
0x1f: {  	v4 =	vld [tilespmem:s19+$0xFFFFFFC0]  }
0x20: {  	v5 =	vld [tilespmem:s19+$0xFFFFFFD0];
	v0 =	vmul.f32 $8.000000000e+00, v0  }
0x21: {  	v6 =	vld [tilespmem:s19+$0xFFFFFFE0];
	v1 =	vmul.f32 $8.000000000e+00, v1  }
0x22: {  	[tilespmem:s19+$0xFFFFFF80] =	vst v0;
	v0 =	vmul.f32 $8.000000000e+00, v2;
	v2 =	vld [tilespmem:s19+$0x0]  }
0x23: {  	[tilespmem:s19+$0xFFFFFF90] =	vst v1;
	v1 =	vmul.f32 $8.000000000e+00, v3;
	v3 =	vld [tilespmem:s19+$0x10]  }
0x24: {  	[tilespmem:s19+$0xFFFFFFA0] =	vst v0;
	v0 =	vmul.f32 $8.000000000e+00, v4;
	v4 =	vld [tilespmem:s19+$0x20]  }
0x25: {  	v7 =	vld [tilespmem:s19+$0x30];
	[tilespmem:s19+$0xFFFFFFB0] =	vst v1;
	v1 =	vmul.f32 $8.000000000e+00, v5  }
0x26: {  	v5 =	vmul.f32 $8.000000000e+00, v6;
	[tilespmem:s19+$0xFFFFFFC0] =	vst v0;
	v0 =	vld [tilespmem:s19+$0x40]  }
0x27: {  	[tilespmem:s19+$0xFFFFFFD0] =	vst v1;
	v1 =	vmul.f32 $8.000000000e+00, v2;
	v2 =	vld [tilespmem:s19+$0x50]  }
0x28: {  	[tilespmem:s19+$0xFFFFFFE0] =	vst v5;
	v6 =	vmul.f32 $8.000000000e+00, v3;
	v3 =	vld [tilespmem:s19+$0x60]  }
0x29: {  	[tilespmem:s19+$0x0] =	vst v1;
	v5 =	vmul.f32 $8.000000000e+00, v4;
	v4 =	vld [tilespmem:s19+$0x70]  }
0x2a: {  	s21 =	simm.s32 $0x6580;
	s20 =	simm.s32 $0x0;
	v1 =	vld [tilespmem:s19+$0xFFFFFFF0];
	[tilespmem:s19+$0x10] =	vst v6;
	v6 =	vmul.f32 $8.000000000e+00, v7  }
.LBB2_3:
0x2b: {  	v7 =	vld [tilespmem:s21+$0xFFFFFF80];
	[tilespmem:s19+$0x20] =	vst v5;
	v0 =	vmul.f32 $8.000000000e+00, v0  }
0x2c: {  	v5 =	vld [tilespmem:s21+$0xFFFFFF90];
	[tilespmem:s19+$0x30] =	vst v6;
	v2 =	vmul.f32 $8.000000000e+00, v2  }
0x2d: {  	v6 =	vld [tilespmem:s21+$0xFFFFFFA0];
	[tilespmem:s19+$0x40] =	vst v0;
	v0 =	vmul.f32 $8.000000000e+00, v3  }
0x2e: {  	v3 =	vld [tilespmem:s21+$0xFFFFFFB0];
	[tilespmem:s19+$0x50] =	vst v2;
	v2 =	vmul.f32 $8.000000000e+00, v4  }
0x2f: {  	v4 =	vld [tilespmem:s21+$0xFFFFFFC0];
	v1 =	vmul.f32 $8.000000000e+00, v1;
	[tilespmem:s19+$0x60] =	vst v0  }
0x30: {  	v0 =	vmul.f32 $8.000000000e+00, v7;
	v7 =	vld [tilespmem:s21+$0xFFFFFFD0];
	[tilespmem:s19+$0x70] =	vst v2  }
0x31: {  	v2 =	vmul.f32 $8.000000000e+00, v5;
	v5 =	vld [tilespmem:s21+$0xFFFFFFE0];
	[tilespmem:s19+$0xFFFFFFF0] =	vst v1;
	s19 =	smov.u32 s21  }
0x32: {  	[tilespmem:s21+$0xFFFFFF80] =	vst v0;
	v0 =	vmul.f32 $8.000000000e+00, v6;
	v1 =	vld [tilespmem:s21+$0x0]  }
0x33: {  	[tilespmem:s21+$0xFFFFFF90] =	vst v2;
	v2 =	vmul.f32 $8.000000000e+00, v3;
	v3 =	vld [tilespmem:s21+$0x10]  }
0x34: {  	s20 =	sadd.s32 $0x4, s20;
	[tilespmem:s21+$0xFFFFFFA0] =	vst v0;
	v0 =	vmul.f32 $8.000000000e+00, v4;
	v4 =	vld [tilespmem:s21+$0x20]  }
0x35: {  	p0 =	slt.u32 s20, $0x7C;
	[tilespmem:s21+$0xFFFFFFB0] =	vst v2;
	v2 =	vmul.f32 $8.000000000e+00, v7;
	v6 =	vld [tilespmem:s21+$0x30]  }
.Ltmp0:
0x36: {  	[tilespmem:s21+$0xFFFFFFC0] =	vst v0;
	v5 =	vmul.f32 $8.000000000e+00, v5;
	v0 =	vld [tilespmem:s21+$0x40];
	(pc) =	sbr.rel @p0 .LBB2_3-.Ltmp0, $4  }
0x37: {  	[tilespmem:s21+$0xFFFFFFD0] =	vst v2;
	v1 =	vmul.f32 $8.000000000e+00, v1;
	v2 =	vld [tilespmem:s21+$0x50]  }
0x38: {  	[tilespmem:s21+$0xFFFFFFE0] =	vst v5;
	v7 =	vmul.f32 $8.000000000e+00, v3;
	v3 =	vld [tilespmem:s21+$0x60]  }
0x39: {  	[tilespmem:s21+$0x0] =	vst v1;
	v5 =	vmul.f32 $8.000000000e+00, v4;
	v4 =	vld [tilespmem:s21+$0x70]  }
0x3a: {  	s21 =	sadd.s32 $0x100, s21;
	v1 =	vld [tilespmem:s19+$0xFFFFFFF0];
	[tilespmem:s19+$0x10] =	vst v7;
	v6 =	vmul.f32 $8.000000000e+00, v6  }
0x3b: {  	[tilespmem:s19+$0x20] =	vst v5;
	v0 =	vmul.f32 $8.000000000e+00, v0  }
0x3c: {  	[tilespmem:s19+$0x30] =	vst v6;
	v2 =	vmul.f32 $8.000000000e+00, v2  }
0x3d: {  	[tilespmem:s19+$0x40] =	vst v0;
	v0 =	vmul.f32 $8.000000000e+00, v3  }
0x3e: {  	s20 =	sshll.u32 s17, $0xE;
	[tilespmem:s19+$0x50] =	vst v2;
	v2 =	vmul.f32 $8.000000000e+00, v4  }
0x3f: {  	s20 =	sadd.s32 s6, s20;
	v1 =	vmul.f32 $8.000000000e+00, v1;
	[tilespmem:s19+$0x60] =	vst v0  }
0x40: {  	s20 =	sshrl.u32 s20, $0x3;
	[tilespmem:s19+$0x70] =	vst v2  }
0x41: {  	p0 =	seq.s32 s17, $0x63;
	s31 =	sadd.s32 s2, s20;
	[tilespmem:s19+$0xFFFFFFF0] =	vst v1  }
0x42: {  	[hbm4b:s31+s3] =	stream.linear.scatter [tilespmem:s10], [sflag:$0x3], $0x2000, $0x38;
	[tilespmem:$0xA400] =	vst v63  }
0x43: {  	s19 =	sshll.u32 @!p0 s17, $0x8;
	_ =	swait.ge [sflag:s13], $0x2000  }
0x44: {  	s21 =	simm.s32 @!p0 $0x6400;
	s19 =	sand.u32 @!p0 $0x3FFFFF00, s19;
	[sflag:s13] =	ssyncset.done $0x0  }
0x45: {  	s20 =	simm.s32 @!p0 $0x80;
	s19 =	sadd.s32 @!p0 $0x100, s19;
	[sflag:s13] =	ssyncadd.s32 $0xFFFFE000  }
0x46: {  	[tilespmem:s21], [sflag:$0x1] =	stream.indirect.gather @!p0 [hbm4b:s4+s20], $0x40, s19, s20, $0xb8;
	[tilespmem:$0xA400] =	vst v63  }
0x47: {  	_ =	swait.ge [sflag:s14], $0x2000  }
0x48: {  	[sflag:s14] =	ssyncset.done $0x0  }
0x49: {  	s19 =	simm.s32 $0x8480;
	[sflag:s14] =	ssyncadd.s32 $0xFFFFE000  }
0x4a: {  	v0 =	vld [tilespmem:s19+$0xFFFFFF80]  }
0x4b: {  	v1 =	vld [tilespmem:s19+$0xFFFFFF90]  }
0x4c: {  	v2 =	vld [tilespmem:s19+$0xFFFFFFA0]  }
0x4d: {  	v3 =	vld [tilespmem:s19+$0xFFFFFFB0]  }
0x4e: {  	v4 =	vld [tilespmem:s19+$0xFFFFFFC0]  }
0x4f: {  	v5 =	vld [tilespmem:s19+$0xFFFFFFD0];
	v0 =	vmul.f32 $8.000000000e+00, v0  }
0x50: {  	v6 =	vld [tilespmem:s19+$0xFFFFFFE0];
	v1 =	vmul.f32 $8.000000000e+00, v1  }
0x51: {  	[tilespmem:s19+$0xFFFFFF80] =	vst v0;
	v0 =	vmul.f32 $8.000000000e+00, v2;
	v2 =	vld [tilespmem:s19+$0x0]  }
0x52: {  	[tilespmem:s19+$0xFFFFFF90] =	vst v1;
	v1 =	vmul.f32 $8.000000000e+00, v3;
	v3 =	vld [tilespmem:s19+$0x10]  }
0x53: {  	[tilespmem:s19+$0xFFFFFFA0] =	vst v0;
	v0 =	vmul.f32 $8.000000000e+00, v4;
	v4 =	vld [tilespmem:s19+$0x20]  }
0x54: {  	v7 =	vld [tilespmem:s19+$0x30];
	[tilespmem:s19+$0xFFFFFFB0] =	vst v1;
	v1 =	vmul.f32 $8.000000000e+00, v5  }
0x55: {  	v5 =	vmul.f32 $8.000000000e+00, v6;
	[tilespmem:s19+$0xFFFFFFC0] =	vst v0;
	v0 =	vld [tilespmem:s19+$0x40]  }
0x56: {  	[tilespmem:s19+$0xFFFFFFD0] =	vst v1;
	v1 =	vmul.f32 $8.000000000e+00, v2;
	v2 =	vld [tilespmem:s19+$0x50]  }
0x57: {  	[tilespmem:s19+$0xFFFFFFE0] =	vst v5;
	v6 =	vmul.f32 $8.000000000e+00, v3;
	v3 =	vld [tilespmem:s19+$0x60]  }
0x58: {  	[tilespmem:s19+$0x0] =	vst v1;
	v5 =	vmul.f32 $8.000000000e+00, v4;
	v4 =	vld [tilespmem:s19+$0x70]  }
0x59: {  	s20 =	simm.s32 $0x0;
	s21 =	simm.s32 $0x8580;
	v1 =	vld [tilespmem:s19+$0xFFFFFFF0];
	[tilespmem:s19+$0x10] =	vst v6;
	v6 =	vmul.f32 $8.000000000e+00, v7  }
.LBB2_5:
0x5a: {  	v7 =	vld [tilespmem:s21+$0xFFFFFF80];
	[tilespmem:s19+$0x20] =	vst v5;
	v0 =	vmul.f32 $8.000000000e+00, v0  }
0x5b: {  	v5 =	vld [tilespmem:s21+$0xFFFFFF90];
	[tilespmem:s19+$0x30] =	vst v6;
	v2 =	vmul.f32 $8.000000000e+00, v2  }
0x5c: {  	v6 =	vld [tilespmem:s21+$0xFFFFFFA0];
	[tilespmem:s19+$0x40] =	vst v0;
	v0 =	vmul.f32 $8.000000000e+00, v3  }
0x5d: {  	v3 =	vld [tilespmem:s21+$0xFFFFFFB0];
	[tilespmem:s19+$0x50] =	vst v2;
	v2 =	vmul.f32 $8.000000000e+00, v4  }
0x5e: {  	v4 =	vld [tilespmem:s21+$0xFFFFFFC0];
	v1 =	vmul.f32 $8.000000000e+00, v1;
	[tilespmem:s19+$0x60] =	vst v0  }
0x5f: {  	v0 =	vmul.f32 $8.000000000e+00, v7;
	v7 =	vld [tilespmem:s21+$0xFFFFFFD0];
	[tilespmem:s19+$0x70] =	vst v2  }
0x60: {  	v2 =	vmul.f32 $8.000000000e+00, v5;
	v5 =	vld [tilespmem:s21+$0xFFFFFFE0];
	[tilespmem:s19+$0xFFFFFFF0] =	vst v1;
	s19 =	smov.u32 s21  }
0x61: {  	[tilespmem:s21+$0xFFFFFF80] =	vst v0;
	v0 =	vmul.f32 $8.000000000e+00, v6;
	v1 =	vld [tilespmem:s21+$0x0]  }
0x62: {  	[tilespmem:s21+$0xFFFFFF90] =	vst v2;
	v2 =	vmul.f32 $8.000000000e+00, v3;
	v3 =	vld [tilespmem:s21+$0x10]  }
0x63: {  	s20 =	sadd.s32 $0x4, s20;
	[tilespmem:s21+$0xFFFFFFA0] =	vst v0;
	v0 =	vmul.f32 $8.000000000e+00, v4;
	v4 =	vld [tilespmem:s21+$0x20]  }
0x64: {  	p0 =	slt.u32 s20, $0x7C;
	[tilespmem:s21+$0xFFFFFFB0] =	vst v2;
	v2 =	vmul.f32 $8.000000000e+00, v7;
	v6 =	vld [tilespmem:s21+$0x30]  }
.Ltmp1:
0x65: {  	[tilespmem:s21+$0xFFFFFFC0] =	vst v0;
	v5 =	vmul.f32 $8.000000000e+00, v5;
	v0 =	vld [tilespmem:s21+$0x40];
	(pc) =	sbr.rel @p0 .LBB2_5-.Ltmp1, $4  }
0x66: {  	[tilespmem:s21+$0xFFFFFFD0] =	vst v2;
	v1 =	vmul.f32 $8.000000000e+00, v1;
	v2 =	vld [tilespmem:s21+$0x50]  }
0x67: {  	[tilespmem:s21+$0xFFFFFFE0] =	vst v5;
	v7 =	vmul.f32 $8.000000000e+00, v3;
	v3 =	vld [tilespmem:s21+$0x60]  }
0x68: {  	[tilespmem:s21+$0x0] =	vst v1;
	v5 =	vmul.f32 $8.000000000e+00, v4;
	v4 =	vld [tilespmem:s21+$0x70]  }
0x69: {  	s21 =	sadd.s32 $0x100, s21;
	v1 =	vld [tilespmem:s19+$0xFFFFFFF0];
	[tilespmem:s19+$0x10] =	vst v7;
	v6 =	vmul.f32 $8.000000000e+00, v6  }
0x6a: {  	[tilespmem:s19+$0x20] =	vst v5;
	v0 =	vmul.f32 $8.000000000e+00, v0  }
0x6b: {  	s17 =	sadd.s32 $0x1, s17;
	[tilespmem:s19+$0x30] =	vst v6;
	v2 =	vmul.f32 $8.000000000e+00, v2  }
0x6c: {  	p0 =	sne.s32 s17, $0x64;
	[tilespmem:s19+$0x40] =	vst v0;
	v62 =	vmul.f32 $8.000000000e+00, v3  }
.Ltmp2:
0x6d: {  	s18 =	sshll.u32 s18, $0xD;
	[tilespmem:s19+$0x50] =	vst v2;
	v63 =	vmul.f32 $8.000000000e+00, v4;
	(pc) =	sbr.rel @p0 .LBB2_2-.Ltmp2, $4  }
0x6e: {  	s18 =	sadd.s32 s6, s18;
	v1 =	vmul.f32 $8.000000000e+00, v1;
	[tilespmem:s19+$0x60] =	vst v62  }
0x6f: {  	s18 =	sshrl.u32 s18, $0x3;
	[tilespmem:s19+$0x70] =	vst v63  }
0x70: {  	s18 =	sadd.s32 s2, s18;
	[tilespmem:s19+$0xFFFFFFF0] =	vst v1  }
0x71: {  	[hbm4b:s18+s3] =	stream.linear.scatter [tilespmem:s11], [sflag:$0x4], $0x2000, $0x38;
	[tilespmem:$0xA400] =	vst v63  }
0x72: {  	s16 =	sadd.s32 $0x1, s16  }
0x73: {  	p0 =	sne.s32 s16, s7  }
.Ltmp3:
0x74: {  	_ = 	snop;
	(pc) =	sbr.rel @p0 .LBB2_1-.Ltmp3, $4  }
0x75: {  	_ = 	snop  }
0x76: {  	_ =	swait.ge [sflag:s15], $0x2000  }
0x77: {  	[sflag:s15] =	ssyncset.done $0x0  }
0x78: {  	[sflag:s15] =	ssyncadd.s32 $0xFFFFE000  }
0x79: {  	_ =	sfence.sel $0x180000  }
0x7a: {  	[bflag:$0x0] =	sbarrier.arrive $0xFFFF  }
0x7b: {  	p0 =	sne.s32 s1, $0x0;
	_ =	strace $0x90000047  }
0x7c: {  	s0 =	sadd.s32 @!p0 $0x100000, s0;
	[bflag:$0x2] =	sbarrier.arrive $0xFFFF  }
0x7d: {  	[sflag:s0] =	ssyncadd.tile.s32 @!p0 $0x1;
	_ =	shalt  }
.Lfunc_end2:
_tile_overlayer_lowered:
.L_overlay_start_2:
0x7e: {  	(tag) =	ssettag $0x2  }
0x7f: {  	s0 =	rddreg [dreg:$0x0];
	s2 =	stileid.u32  }
0x80: {  	s1 =	rddreg [dreg:$0x1];
	p0 =	sne.s32 s2, $0x0  }
0x81: {  	s3 =	rddreg [dreg:$0x2];
	[bflag:$0x3] =	sbarrier.arrive $0xFFFF;
	s2 =	simm.s32 @!p0 $0x1C05  }
0x82: {  	[timem:s3], [sflag:s2] =	dma.local @!p0 [hbm:s0], s1  }
0x83: {  	s0 =	simm.s32 @!p0 $0x5  }
0x84: {  	_ =	swait.ge @!p0 [sflag:s0], s1  }
0x85: {  	s1 =	ssub.s32 @!p0 $0x0, s1;
	[sflag:s0] =	ssyncset.done @!p0 $0x0  }
0x86: {  	[sflag:s0] =	ssyncadd.s32 @!p0 s1  }
0x87: {  	[bflag:$0x3] =	sbarrier.arrive $0xFFFF  }
0x88: {  	_ =	shalt  }

// kernel: sparse-core-data-format-call.cloned.1.call-start
scs
called_computation_lowered:
.L_overlay_start_0:
0x0: {  	s2 =	sld [smem:$0x3FD9]  }
0x1: {  	s3 =	sld [smem:$0x3FFE];
	_ =	sdelay $0x1  }
0x2: {  	s1 =	srdreg.scid  }
0x3: {  	s0 =	sand.u32 $0x1, s1  }
0x4: {  	s18 =	sshll.u32 s0, $0xA;
	s2 =	sadd.s32 s3, s2  }
0x5: {  	s2 =	sadd.s32 s2, s18  }
0x6: {  	[smem:$0x3FC6] =	sst s2  }
0x7: {  	_ = 	snop  }
0x8: {  	s2 =	sld [smem:$0x3FD0];
	(tm) =	ssettm $0x1  }
0x9: {  	s19 =	sld [smem:$0x3FFB];
	_ =	sdelay $0x3  }
0xa: {  	_ =	strace s19  }
0xb: {  	s3 =	sld [smem:$0x3FFC];
	_ =	sdelay $0x3  }
0xc: {  	_ =	strace s3  }
0xd: {  	s3 =	sld [smem:$0x3FFD];
	_ =	sdelay $0x3  }
0xe: {  	_ =	strace s3  }
0xf: {  	_ =	strace $0x8FFFFFFF  }
0x10: {  	s20 =	sld [smem:$0x3FDB];
	_ =	sdelay $0x1  }
0x11: {  	s4 =	simm.s32 $_scs_section_size  }
0x12: {  	s5 =	simm.s32 $_size__tile_overlayer_lowered;
	s6 =	simm.s32 $_tile_overlayer_lowered  }
0x13: {  	s23 =	simm.s32 $0x1BFF;
	s22 =	sshll.u32 s6, $0x1;
	s3 =	sadd.s32 s4, s20  }
0x14: {  	s7 =	simm.s32 $0x0;
	s21 =	sshll.u32 s5, $0x1;
	s5 =	sadd.s32 s22, s3  }
0x15: {  	[timem:s7], [sflag:s23] =	dma.local [hbm:s5], s21  }
0x16: {  	_ =	swait.ge [sflag:s23], s21  }
0x17: {  	s4 =	ssub.s32 $0x0, s21;
	[sflag:s23] =	ssyncset.done $0x0  }
0x18: {  	[sflag:s23] =	ssyncadd.s32 s4;
	_ =	sdelay $0x1  }
0x19: {  	s24 =	simm.s32 $0x1B8B  }
0x1a: {  	_ =	swait.ge [sflag:s24], $0x1  }
0x1b: {  	[sflag:s24] =	ssyncset.done $0x0  }
0x1c: {  	s26 =	simm.s32 $0x1B8E;
	s25 =	sld [smem:$0x3FFE];
	[sflag:s24] =	ssyncadd.s32 $0xFFFFFFFF  }
0x1d: {  	s27 =	simm.s32 $execute0_lowered;
	[smem:$0x3FD2] =	sst s26  }
0x1e: {  	s5 =	sshll.u32 s27, $0x1;
	_ =	strace $0x80000049;
	[dreg:$0x1] =	wrdreg $0xFFFFFFFF  }
0x1f: {  	s28 =	simm.s32 $_size_execute0_lowered;
	s3 =	sadd.s32 s3, s5;
	[dreg:$0x0] =	wrdreg $0x0  }
0x20: {  	s5 =	sshll.u32 s28, $0x1;
	[dreg:$0x2] =	wrdreg s3  }
0x21: {  	[dreg:$0x3] =	wrdreg s5  }
0x22: {  	[dreg:$0x4] =	wrdreg $0xC0  }
0x23: {  	_ =	task [dreg:s7], $0x5FFFF  }
0x24: {  	[dreg:$0x1] =	wrdreg $0xFFFFFFFF  }
0x25: {  	[dreg:$0x0] =	wrdreg $0x60  }
0x26: {  	[dreg:$0x2] =	wrdreg s25  }
0x27: {  	[dreg:$0x3] =	wrdreg s2  }
0x28: {  	[dreg:$0x4] =	wrdreg $0x9  }
0x29: {  	_ =	task.clear_ibuf [dreg:s7], $0x5FFFF;
	_ =	strace $0x90000049  }
0x2a: {  	s29 =	simm.s32 $0x9;
	_ =	strace $0x8000004B  }
0x2b: {  	_ =	swait.ge [sflag:s29], $0x1  }
0x2c: {  	[sflag:s29] =	ssyncadd.s32 $0xFFFFFFFF  }
0x2d: {  	_ =	strace $0x9000004B  }
0x2e: {  	_ =	sfence  }
0x2f: {  	s30 =	sld [smem:$0x0];
	_ =	sdelay $0x2  }
0x30: {  	s31 =	sshll.u32 s1, $0xD;
	s1 =	sshrl.u32 s1, $0x2  }
0x31: {  	s3 =	sand.u32 $0x4000, s31;
	s1 =	sadd.s32 s1, s30  }
0x32: {  	s0 =	sor.u32 s3, s0;
	s1 =	sshll.u32 s1, $0x11  }
0x33: {  	s0 =	sor.u32 s1, s0  }
0x34: {  	s0 =	sadd.s32 $0x8F2B, s0  }
0x35: {  	[sflag:s0] =	ssyncadd.remote.s32 $0x1  }
0x36: {  	_ =	sfence.sel $0xFFFF  }
0x37: {  	[dreg:$0x0] =	wrdreg $0xFFFFFFFF;
	(pc) =	sbr.abs _section_cstart, $3  }
0x38: {  	[dreg:$0x1] =	wrdreg $0xFFFFFFFF  }
0x39: {  	_ =	task.clear_ibuf [dreg:s7], $0x2FFFF;
	_ =	strace $0x9FFFFFFF  }
0x3a: {  	(tm) =	ssettm $0x7FFFFFFF  }
0x3b: {  	_ =	shalt  }
tec
execute0_lowered:
.L_overlay_start_1:
0x0: {  	(tag) =	ssettag $0x1  }
0x1: {  	s0 =	srdreg.scid  }
0x2: {  	s1 =	sshll.u32 s0, $0x4  }
0x3: {  	s4 =	rddreg [dreg:$0x0];
	s0 =	stileid.u32;
	s1 =	sand.u32 $0x10, s1  }
0x4: {  	s2 =	rddreg [dreg:$0x1];
	s7 =	simm.s32 $0x1;
	s1 =	sor.u32 s0, s1  }
0x5: {  	s8 =	simm.s32 $0x2;
	s11 =	simm.s32 $0x0;
	s3 =	sshll.u32 s1, $0x7  }
0x6: {  	s10 =	simm.s32 $0x0;
	s4 =	sadd.s32 $0x800, s4;
	s6 =	ssub.s32 $0xC8000, s3  }
.Ltmp0:
0x7: {  	s1 =	rddreg [dreg:$0x2];
	s5 =	sand.u32 $0xF80, s6;
	(pc) =	sbr.rel .LBB1_1-.Ltmp0, $4  }
0x8: {  	_ =	strace $0x8000004A;
	s9 =	smov.u32 s3;
	p0 =	sne.s32 s5, $0x0  }
0x9: {  	s6 =	sshrl.u32 s6, $0xC;
	s5 =	simm.s32 $0x1;
	s7 =	simm.s32 @!p0 $0x0  }
0xa: {  	[sflag:s5] =	ssyncpa.u1 $0x0;
	p0 =	por $0x0, $0x0;
	s6 =	sadd.s32 s7, s6  }
0xb: {  	[sflag:s8] =	ssyncpa.u1 $0x0;
	s8 =	simm.s32 $0x640000;
	s7 =	sadd.s32 $0x1, s6  }
.LBB1_4:
0xc: {  	s14 =	sshll.u32 s11, $0x3  }
0xd: {  	s30 =	sand.u32 $0x7F, s11;
	s15 =	sand.u32 $0xFFFFFC00, s14  }
0xe: {  	s11 =	sor.u32 s30, s15  }
0xf: {  	s15 =	smulhi.u32 $0x51EB851F, s11  }
0x10: {  	s14 =	smulhi.u32 $0x51EB851F, s14  }
0x11: {  	s15 =	sshrl.u32 s15, $0x12  }
0x12: {  	s14 =	sshrl.u32 s14, $0x12;
	s15 =	smul.u32 $0xC8000, s15  }
0x13: {  	s14 =	sand.u32 $0x3F, s14  }
0x14: {  	s14 =	smul.u32 $0x19000, s14;
	s11 =	ssub.s32 s11, s15  }
0x15: {  	[tilespmem:s13+$0x810 ss:$0x81] =	vst.msk $0xffff, v2;
	s15 =	sand.u32 $0x7, s11  }
0x16: {  	[tilespmem:s13+$0x1020 ss:$0x81] =	vst.msk $0xffff, v0;
	s14 =	sadd.s32 s2, s14;
	s11 =	sshrl.u32 s11, $0x3;
	s15 =	sshll.u32 s15, $0x12  }
0x17: {  	[tilespmem:s13+$0x0 ss:$0x81] =	vst.msk $0xffff, v1;
	s11 =	sadd.s32 s11, s14;
	s31 =	sor.u32 $0x400, s15  }
0x18: {  	[hbm4b:s11+s31] =	stream.strided.scatter [tilespmem:s12], [sflag:$0x2], $0x2000, s8, s31, $0x20;
	[tilespmem:$0x8080] =	vst v63  }
.LBB1_5:
0x19: {  	s13 =	sadd.s32 $0x1000, s9  }
0x1a: {  	p2 =	sgt.s32 s13, $0xC7FFF  }
0x1b: {  	s13 =	smov.u32 @p2 s3;
	p2 =	sne.s32 s10, s7  }
.Ltmp1:
0x1c: {  	p1 =	slt.u32 s10, $0x2;
	(pc) =	sbr.rel @!p2 .LBB1_6-.Ltmp1, $4  }
0x1d: {  	s12 =	simm.s32 @!p1 $0x2  }
0x1e: {  	s14 =	sadd.s32 $0x1, s10;
	_ =	swait.ge @!p1 [sflag:s12], $0x2000  }
0x1f: {  	s11 =	smov.u32 s9;
	p0 =	por !p0, !p0;
	[sflag:s12] =	ssyncset.done @!p1 $0x0  }
0x20: {  	s10 =	smov.u32 s14;
	s9 =	smov.u32 s13;
	[sflag:s12] =	ssyncadd.s32 @!p1 $0xFFFFE000  }
.LBB1_1:
0x21: {  	p1 =	sge.u32 s10, s6  }
0x22: {  	s12 =	sand.u32 @!p1 $0x1FFFFFF, s9  }
0x23: {  	s13 =	smulhi.u32 @!p1 $0x147AE15, s12;
	_ =	sdelay $0x1  }
0x24: {  	s13 =	sshrl.u32 @!p1 s13, $0xC  }
0x25: {  	s13 =	smul.u32 @!p1 $0xC8000, s13;
	_ =	sdelay $0x1  }
0x26: {  	s31 =	sadd.s32 $0xFFFFFFFF, s10;
	s14 =	sxor.u32 @!p1 $0xFFFFFFFF, s10;
	s12 =	ssub.s32 @!p1 s12, s13  }
0x27: {  	s15 =	simm.s32 @!p1 $0x80;
	s14 =	sshll.u32 @!p1 s14, $0xD;
	s12 =	sshll.u32 @!p1 s12, $0x4  }
0x28: {  	s13 =	sand.u32 @!p1 $0x2000, s14;
	s14 =	simm.s32 @!p1 $0x40;
	s12 =	sadd.s32 @!p1 s4, s12  }
0x29: {  	[tilespmem:s13], [sflag:$0x1] =	stream.strided.gather @!p1 [hbm4b:s12+s14], $0x2000, s15, s14, $0x38;
	[tilespmem:$0x8080] =	vst v63  }
0x2a: {  	p1 =	sge.u32 s31, s6  }
.Ltmp2:
0x2b: {  	_ = 	snop;
	(pc) =	sbr.rel @p1 .LBB1_5-.Ltmp2, $1  }
0x2c: {  	_ =	sdelay $0x3  }
0x2d: {  	s12 =	simm.s32 $0x1  }
0x2e: {  	_ =	swait.ge [sflag:s5], $0x2000;
	s12 =	simm.s32 @!p0 $0x0  }
0x2f: {  	[sflag:s5] =	ssyncset.done $0x0;
	s13 =	sshll.u32 s12, $0xD  }
0x30: {  	[sflag:s5] =	ssyncadd.s32 $0xFFFFE000;
	s16 =	sor.u32 $0x20, s13  }
0x31: {  	s12 =	smul.u32 $0x8100, s12;
	v3 =	vld [tilespmem:s16+$0x10]  }
0x32: {  	s30 =	sand.u32 $0x1, s10;
	v2 =	vld [tilespmem:s16+$0xFFFFFFF0]  }
0x33: {  	s13 =	smul.u32 $0x8100, s30;
	s12 =	sshrl.u32 s12, $0x2;
	v0 =	vld [tilespmem:s16+$0x0]  }
0x34: {  	v1 =	vld [tilespmem:s16+$0xFFFFFFE0];
	s14 =	sor.u32 $0x4000, s12  }
0x35: {  	s31 =	sshrl.u32 s13, $0x2;
	s13 =	sadd.s32 $0x0, s14  }
0x36: {  	s15 =	simm.s32 $0x4;
	s16 =	sadd.s32 $0x40, s16;
	s12 =	sor.u32 $0x4000, s31;
	[tilespmem:s13+$0x1830 ss:$0x81] =	vst.msk $0xffff, v3  }
.LBB1_3:
0x37: {  	v3 =	vld [tilespmem:s16+$0x10];
	p1 =	sne.s32 s15, $0x1FC;
	[tilespmem:s13+$0x810 ss:$0x81] =	vst.msk $0xffff, v2;
	s17 =	smov.u32 s15;
	s15 =	sadd.s32 $0x4, s15  }
.Ltmp3:
0x38: {  	v2 =	vld [tilespmem:s16+$0xFFFFFFF0];
	[tilespmem:s13+$0x1020 ss:$0x81] =	vst.msk $0xffff, v0;
	(pc) =	sbr.rel @p1 .LBB1_3-.Ltmp3, $4  }
0x39: {  	v0 =	vld [tilespmem:s16+$0x0];
	[tilespmem:s13+$0x0 ss:$0x81] =	vst.msk $0xffff, v1  }
0x3a: {  	s13 =	sshra.s32 s17, $0x2;
	v1 =	vld [tilespmem:s16+$0xFFFFFFE0]  }
0x3b: {  	s13 =	sadd.s32 s13, s14  }
0x3c: {  	s16 =	sadd.s32 $0x40, s16;
	[tilespmem:s13+$0x1830 ss:$0x81] =	vst.msk $0xffff, v3  }
.Ltmp4:
0x3d: {  	_ = 	snop;
	(pc) =	sbr.rel .LBB1_4-.Ltmp4, $1  }
0x3e: {  	_ =	sdelay $0x3  }
.LBB1_6:
0x3f: {  	_ =	sfence.sel $0x180000  }
0x40: {  	s2 =	simm.s32 $0x1;
	[bflag:$0x0] =	sbarrier.arrive $0xFFFF  }
0x41: {  	s31 =	simm.s32 $0x2;
	[sflag:s2] =	ssyncpa.u1 $0x1  }
0x42: {  	[sflag:s31] =	ssyncpa.u1 $0x1  }
0x43: {  	p0 =	sne.s32 s0, $0x0;
	_ =	strace $0x9000004A  }
0x44: {  	s0 =	sadd.s32 @!p0 $0x100000, s1;
	[bflag:$0x2] =	sbarrier.arrive $0xFFFF  }
0x45: {  	[sflag:s0] =	ssyncadd.tile.s32 @!p0 $0x1;
	_ =	shalt  }
.Lfunc_end1:
_tile_overlayer_lowered:
.L_overlay_start_2:
0x46: {  	(tag) =	ssettag $0x2  }
0x47: {  	s0 =	rddreg [dreg:$0x0];
	s2 =	stileid.u32  }
0x48: {  	s1 =	rddreg [dreg:$0x1];
	p0 =	sne.s32 s2, $0x0  }
0x49: {  	s3 =	rddreg [dreg:$0x2];
	[bflag:$0x3] =	sbarrier.arrive $0xFFFF;
	s2 =	simm.s32 @!p0 $0x1C01  }
0x4a: {  	[timem:s3], [sflag:s2] =	dma.local @!p0 [hbm:s0], s1  }
0x4b: {  	s0 =	simm.s32 @!p0 $0x1  }
0x4c: {  	_ =	swait.ge @!p0 [sflag:s0], s1  }
0x4d: {  	s1 =	ssub.s32 @!p0 $0x0, s1;
	[sflag:s0] =	ssyncset.done @!p0 $0x0  }
0x4e: {  	[sflag:s0] =	ssyncadd.s32 @!p0 s1  }
0x4f: {  	[bflag:$0x3] =	sbarrier.arrive $0xFFFF  }
0x50: {  	_ =	shalt  }

</sc_bundles>
